<compile_context>
chip_gen: v7x
topology: tpu7x:2x2x1
jax: 0.10.2.dev20260603
libtpu: 0.0.44.dev20260713+nightly
codegen_flags: <defaults>
</compile_context>

<pallas_src>
import jax
import jax.numpy as jnp
from jax import lax
from jax.experimental import pallas as pl
from jax.experimental.pallas import tpu as pltpu
from jax.experimental.pallas import tpu_sc as plsc

N_EVENTS = 16
INSTR = 4
N_ROWS = 64
N_RES = 2048
N_SAMPLES = 16384

NC, NS, L = 2, 16, 16
ROWS_PER_W = N_ROWS // (NC * NS)


def _lane_perm(x, perm):
    dn = lax.GatherDimensionNumbers(
        offset_dims=(), collapsed_slice_dims=(0,), start_index_map=(0,))
    return lax.gather(x, perm[:, None], dn, slice_sizes=(1,),
                      mode=lax.GatherScatterMode.PROMISE_IN_BOUNDS)


def _sc_select_gather(sel_hbm, items_hbm, out_hbm, sel_v, idx_v, rows_v, sem):
    wid = lax.axis_index("s") * NC + lax.axis_index("c")
    base = wid * ROWS_PER_W

    pltpu.sync_copy(sel_hbm.at[pl.ds(base, ROWS_PER_W)], sel_v)

    lanes = lax.iota(jnp.int32, L)
    ninf = jnp.full((L,), -jnp.inf, jnp.float32)
    zero = jnp.zeros((L,), jnp.int32)

    def body(j, carry):
        bv0, bi0, bv1, bi1 = carry
        b = j * (4 * L)
        for u in range(4):
            off = b + u * L
            idxs = off + lanes
            v0 = sel_v[0, pl.ds(off, L)]
            v1 = sel_v[1, pl.ds(off, L)]
            t0 = v0 > bv0
            t1 = v1 > bv1
            bv0 = jnp.where(t0, v0, bv0)
            bi0 = jnp.where(t0, idxs, bi0)
            bv1 = jnp.where(t1, v1, bv1)
            bi1 = jnp.where(t1, idxs, bi1)
        return bv0, bi0, bv1, bi1

    bv0, bi0, bv1, bi1 = lax.fori_loop(
        0, N_RES // (4 * L), body, (ninf, zero, ninf, zero))

    for shift in (8, 4, 2, 1):
        perm = lanes ^ shift
        ov0, oi0 = _lane_perm(bv0, perm), _lane_perm(bi0, perm)
        ov1, oi1 = _lane_perm(bv1, perm), _lane_perm(bi1, perm)
        b0 = (ov0 > bv0) | ((ov0 == bv0) & (oi0 < bi0))
        b1 = (ov1 > bv1) | ((ov1 == bv1) & (oi1 < bi1))
        bv0 = jnp.where(b0, ov0, bv0)
        bi0 = jnp.where(b0, oi0, bi0)
        bv1 = jnp.where(b1, ov1, bv1)
        bi1 = jnp.where(b1, oi1, bi1)

    iv = jnp.where(lanes == 1, bi1, bi0)
    idx_v[...] = iv

    pltpu.async_copy(items_hbm.at[idx_v.at[pl.ds(0, ROWS_PER_W)]],
                     rows_v, sem).wait()
    pltpu.sync_copy(rows_v, out_hbm.at[pl.ds(base, ROWS_PER_W)])


def _select_gather(sel2d, items):
    mesh = plsc.VectorSubcoreMesh(core_axis_name="c", subcore_axis_name="s")
    return pl.kernel(
        _sc_select_gather,
        mesh=mesh,
        out_type=jax.ShapeDtypeStruct((N_ROWS, N_RES), jnp.float32),
        scratch_types=[
            pltpu.VMEM((ROWS_PER_W, N_RES), jnp.float32),
            pltpu.VMEM((L,), jnp.int32),
            pltpu.VMEM((ROWS_PER_W, N_RES), jnp.float32),
            pltpu.SemaphoreType.DMA,
        ],
    )(sel2d, items)


NT = 1024


def _mm_body(g_ref, w_ref, o_ref):
    part = jnp.dot(g_ref[...], w_ref[...],
                   preferred_element_type=jnp.float32)
    for e in range(N_EVENTS):
        o_ref[0, e] = lax.slice_in_dim(part, INSTR * e, INSTR * (e + 1),
                                       axis=0)


def _postprocess(gathered, waves):
    return pl.pallas_call(
        _mm_body,
        grid=(N_SAMPLES // NT,),
        in_specs=[
            pl.BlockSpec((N_ROWS, N_RES), lambda j: (0, 0)),
            pl.BlockSpec((N_RES, NT), lambda j: (0, j)),
        ],
        out_specs=pl.BlockSpec((1, N_EVENTS, INSTR, NT),
                               lambda j: (0, 0, 0, j)),
        out_shape=jax.ShapeDtypeStruct((1, N_EVENTS, INSTR, N_SAMPLES),
                                       jnp.float32),
    )(gathered, waves)


def kernel(selections, items, waves):
    b, e, x, n = selections.shape
    sel2d = selections.reshape(b * e * x, n)
    gathered = _select_gather(sel2d, items)
    return _postprocess(gathered, waves)

# --- scband reference (transcript-rebuilt; emitter-appended) ---
"""Pipeline reference for scband-overfit-resonance-model-25323127177675 (READ-ONLY COPY).

The authoritative reference and input builder live on the scoring server;
editing this copy changes nothing except your own understanding.
"""

import jax, jax.numpy as jnp
import numpy as np

N_EVENTS = 16
INSTR_EXPR = 4
N_RESONANCES = 2048
N_SAMPLES = 16384
SAMPLERATE = 22050


def make_waves(n_samples, freqs, samplerate):
    # 4 waveforms (sine, saw, triangle, square) per frequency -> n_resonances rows
    t = np.arange(n_samples, dtype=np.float64) / samplerate
    rows = []
    for f in freqs:
        ph = f * t
        rows.append(np.sin(2.0 * np.pi * ph))
        rows.append(2.0 * (ph - np.floor(0.5 + ph)))
        rows.append(2.0 * np.abs(2.0 * (ph - np.floor(0.5 + ph))) - 1.0)
        rows.append(np.sign(np.sin(2.0 * np.pi * ph)))
    return np.stack(rows).astype(np.float32)


def setup_inputs(seed: int = 0) -> dict:
    key = jax.random.key(seed)
    k1, k2 = jax.random.split(key)
    selections = jax.random.normal(k1, (1, N_EVENTS, INSTR_EXPR, N_RESONANCES), dtype=jnp.float32)
    # Lookup.items initialized uniform(-0.02, 0.02); shape [n_items=n_resonances, n_resonances]
    items = jax.random.uniform(k2, (N_RESONANCES, N_RESONANCES), dtype=jnp.float32, minval=-0.02, maxval=0.02)
    waves = jnp.asarray(make_waves(N_SAMPLES, np.linspace(20.0, 4000.0, num=N_RESONANCES // 4), SAMPLERATE))
    return {"selections": selections, "items": items, "waves": waves}


def sparse_softmax_select(selections, items):
    # sparse_softmax: hard one-hot at argmax with straight-through estimator
    soft = jax.nn.softmax(selections, axis=-1)
    idx = jnp.argmax(soft, axis=-1)
    hard = jax.nn.one_hot(idx, selections.shape[-1], dtype=selections.dtype)
    st = hard + soft - jax.lax.stop_gradient(soft)
    # embedding lookup: one-hot @ table == gather of table rows
    return st @ items


def reference(selections, items, waves):
    # WavetableLookup.forward: preprocess (identity) -> sparse_softmax selection -> postprocess (items @ waves)
    selected = sparse_softmax_select(selections, items)  # [1, n_events, instr_expr, n_resonances]
    out = selected @ waves  # [1, n_events, instr_expr, n_samples]
    return out

if __name__ == "__main__":
    import jax
    _d = setup_inputs()
    print(jax.jit(kernel)(*tuple(_d.values())))

</pallas_src>

<mosaic_0001>
#map = affine_map<(d0, d1) -> (0, 0)>
module attributes {stable_mosaic.version = 14 : i64} {
  func.func @_sc_select_gather(%arg0: i32, %arg1: i32, %arg2: memref<64x2048xf32, #tpu.memory_space<hbm>>, %arg3: memref<2048x2048xf32, #tpu.memory_space<hbm>>, %arg4: memref<64x2048xf32, #tpu.memory_space<hbm>>, %arg5: memref<2x2048xf32, #tpu.memory_space<vmem>>, %arg6: memref<16xi32, #tpu.memory_space<vmem>>, %arg7: memref<2x2048xf32, #tpu.memory_space<vmem>>, %arg8: memref<!tpu.dma_semaphore, #tpu.memory_space<semaphore_mem>>) attributes {dimension_semantics = [#tpu.dimension_semantics<core_parallel>, #tpu.dimension_semantics<subcore_parallel>], iteration_bounds = array<i64: 2, 16>, scalar_prefetch = 0 : i64, scratch_operands = 4 : i64, tpu.core_type = #tpu.core_type<sc_vector_subcore>, window_params = [{transform_indices = #map}, {transform_indices = #map}, {transform_indices = #map}]} {
    %mul3A = arith.constant 2 : i32
    %mul3A_0 = arith.muli %arg1, %mul3A : i32
    %add3A = arith.addi %mul3A_0, %arg0 : i32
    %mul3A_1 = arith.constant 2 : i32
    %mul3A_2 = arith.muli %add3A, %mul3A_1 : i32
    "tpu.region"() ({
      %run_scoped3A = tpu.sem_alloc : memref<!tpu.dma_semaphore, #tpu.memory_space<semaphore_mem>>
      %dma_start3A_134 = arith.constant 0 : i32
      %dma_start3A_135 = tpu.memref_slice %arg2[%mul3A_2, %dma_start3A_134] : memref<64x2048xf32, #tpu.memory_space<hbm>> -> memref<2x2048xf32, #tpu.memory_space<hbm>>
      %dma_start3A_136 = arith.constant 0 : i32
      %dma_start3A_137 = tpu.memref_slice %arg2[%mul3A_2, %dma_start3A_136] : memref<64x2048xf32, #tpu.memory_space<hbm>> -> memref<2x2048xf32, #tpu.memory_space<hbm>>
      tpu.enqueue_dma source(%dma_start3A_137 : memref<2x2048xf32, #tpu.memory_space<hbm>>) target(%arg5 : memref<2x2048xf32, #tpu.memory_space<vmem>>) target_semaphore(%run_scoped3A : memref<!tpu.dma_semaphore, #tpu.memory_space<semaphore_mem>>)
      %dma_wait3A_138 = arith.constant 0 : i32
      %dma_wait3A_139 = tpu.memref_slice %arg2[%mul3A_2, %dma_wait3A_138] : memref<64x2048xf32, #tpu.memory_space<hbm>> -> memref<2x2048xf32, #tpu.memory_space<hbm>>
      %dma_wait3A_140 = arith.constant 0 : i32
      %dma_wait3A_141 = tpu.memref_slice %arg2[%mul3A_2, %dma_wait3A_140] : memref<64x2048xf32, #tpu.memory_space<hbm>> -> memref<2x2048xf32, #tpu.memory_space<hbm>>
      tpu.wait_dma2 semaphore(%run_scoped3A : memref<!tpu.dma_semaphore, #tpu.memory_space<semaphore_mem>>) src(%dma_wait3A_141 : memref<2x2048xf32, #tpu.memory_space<hbm>>) dst(%arg5 : memref<2x2048xf32, #tpu.memory_space<vmem>>)
      tpu.yield
    }) : () -> ()
    %iota3A = tpu.iota {dimensions = array<i32: 0>} : vector<16xi32>
    %broadcast_in_dim3A = arith.constant 0xFF800000 : f32
    %broadcast_in_dim3A_3 = vector.broadcast %broadcast_in_dim3A : f32 to vector<16xf32>
    %broadcast_in_dim3A_4 = arith.constant 0 : i32
    %broadcast_in_dim3A_5 = vector.broadcast %broadcast_in_dim3A_4 : i32 to vector<16xi32>
    %scan3A = arith.constant 0 : i32
    %scan3A_6 = arith.constant 32 : i32
    %scan3A_7 = arith.addi %scan3A, %scan3A_6 : i32
    %scan3A_8 = arith.constant 1 : i32
    %scan3A_9:4 = scf.for %scan3A_134 = %scan3A to %scan3A_7 step %scan3A_8 iter_args(%scan3A_135 = %broadcast_in_dim3A_3, %scan3A_136 = %broadcast_in_dim3A_5, %scan3A_137 = %broadcast_in_dim3A_3, %scan3A_138 = %broadcast_in_dim3A_5) -> (vector<16xf32>, vector<16xi32>, vector<16xf32>, vector<16xi32>)  : i32 {
      %mul3A_139 = arith.constant 64 : i32
      %mul3A_140 = arith.muli %scan3A_134, %mul3A_139 : i32
      %add3A_141 = arith.constant 0 : i32
      %add3A_142 = arith.addi %mul3A_140, %add3A_141 : i32
      %add3A_143 = vector.broadcast %add3A_142 : i32 to vector<16xi32>
      %add3A_144 = arith.addi %add3A_143, %iota3A : vector<16xi32>
      %get3A = arith.constant 0 : i32
      %get3A_145 = arith.index_cast %get3A : i32 to index
      %get3A_146 = arith.index_cast %add3A_142 : i32 to index
      %get3A_147 = tpu.vector_load %arg5[%get3A_145, %get3A_146] {strides = array<i32>} : memref<2x2048xf32, #tpu.memory_space<vmem>>, vector<1x16xf32>,
      %get3A_148 = vector.shape_cast %get3A_147 : vector<1x16xf32> to vector<16xf32>
      %get3A_149 = arith.constant 1 : i32
      %get3A_150 = arith.index_cast %get3A_149 : i32 to index
      %get3A_151 = arith.index_cast %add3A_142 : i32 to index
      %get3A_152 = tpu.vector_load %arg5[%get3A_150, %get3A_151] {strides = array<i32>} : memref<2x2048xf32, #tpu.memory_space<vmem>>, vector<1x16xf32>,
      %get3A_153 = vector.shape_cast %get3A_152 : vector<1x16xf32> to vector<16xf32>
      %gt3A_154 = arith.cmpf ogt, %get3A_148, %scan3A_135 : vector<16xf32>
      %gt3A_155 = arith.cmpf ogt, %get3A_153, %scan3A_137 : vector<16xf32>
      %select_n3A_156 = arith.select %gt3A_154, %get3A_148, %scan3A_135 : vector<16xi1>, vector<16xf32>
      %select_n3A_157 = arith.select %gt3A_154, %add3A_144, %scan3A_136 : vector<16xi1>, vector<16xi32>
      %select_n3A_158 = arith.select %gt3A_155, %get3A_153, %scan3A_137 : vector<16xi1>, vector<16xf32>
      %select_n3A_159 = arith.select %gt3A_155, %add3A_144, %scan3A_138 : vector<16xi1>, vector<16xi32>
      %add3A_160 = arith.constant 16 : i32
      %add3A_161 = arith.addi %mul3A_140, %add3A_160 : i32
      %add3A_162 = vector.broadcast %add3A_161 : i32 to vector<16xi32>
      %add3A_163 = arith.addi %add3A_162, %iota3A : vector<16xi32>
      %get3A_164 = arith.constant 0 : i32
      %get3A_165 = arith.index_cast %get3A_164 : i32 to index
      %get3A_166 = arith.index_cast %add3A_161 : i32 to index
      %get3A_167 = tpu.vector_load %arg5[%get3A_165, %get3A_166] {strides = array<i32>} : memref<2x2048xf32, #tpu.memory_space<vmem>>, vector<1x16xf32>,
      %get3A_168 = vector.shape_cast %get3A_167 : vector<1x16xf32> to vector<16xf32>
      %get3A_169 = arith.constant 1 : i32
      %get3A_170 = arith.index_cast %get3A_169 : i32 to index
      %get3A_171 = arith.index_cast %add3A_161 : i32 to index
      %get3A_172 = tpu.vector_load %arg5[%get3A_170, %get3A_171] {strides = array<i32>} : memref<2x2048xf32, #tpu.memory_space<vmem>>, vector<1x16xf32>,
      %get3A_173 = vector.shape_cast %get3A_172 : vector<1x16xf32> to vector<16xf32>
      %gt3A_174 = arith.cmpf ogt, %get3A_168, %select_n3A_156 : vector<16xf32>
      %gt3A_175 = arith.cmpf ogt, %get3A_173, %select_n3A_158 : vector<16xf32>
      %select_n3A_176 = arith.select %gt3A_174, %get3A_168, %select_n3A_156 : vector<16xi1>, vector<16xf32>
      %select_n3A_177 = arith.select %gt3A_174, %add3A_163, %select_n3A_157 : vector<16xi1>, vector<16xi32>
      %select_n3A_178 = arith.select %gt3A_175, %get3A_173, %select_n3A_158 : vector<16xi1>, vector<16xf32>
      %select_n3A_179 = arith.select %gt3A_175, %add3A_163, %select_n3A_159 : vector<16xi1>, vector<16xi32>
      %add3A_180 = arith.constant 32 : i32
      %add3A_181 = arith.addi %mul3A_140, %add3A_180 : i32
      %add3A_182 = vector.broadcast %add3A_181 : i32 to vector<16xi32>
      %add3A_183 = arith.addi %add3A_182, %iota3A : vector<16xi32>
      %get3A_184 = arith.constant 0 : i32
      %get3A_185 = arith.index_cast %get3A_184 : i32 to index
      %get3A_186 = arith.index_cast %add3A_181 : i32 to index
      %get3A_187 = tpu.vector_load %arg5[%get3A_185, %get3A_186] {strides = array<i32>} : memref<2x2048xf32, #tpu.memory_space<vmem>>, vector<1x16xf32>,
      %get3A_188 = vector.shape_cast %get3A_187 : vector<1x16xf32> to vector<16xf32>
      %get3A_189 = arith.constant 1 : i32
      %get3A_190 = arith.index_cast %get3A_189 : i32 to index
      %get3A_191 = arith.index_cast %add3A_181 : i32 to index
      %get3A_192 = tpu.vector_load %arg5[%get3A_190, %get3A_191] {strides = array<i32>} : memref<2x2048xf32, #tpu.memory_space<vmem>>, vector<1x16xf32>,
      %get3A_193 = vector.shape_cast %get3A_192 : vector<1x16xf32> to vector<16xf32>
      %gt3A_194 = arith.cmpf ogt, %get3A_188, %select_n3A_176 : vector<16xf32>
      %gt3A_195 = arith.cmpf ogt, %get3A_193, %select_n3A_178 : vector<16xf32>
      %select_n3A_196 = arith.select %gt3A_194, %get3A_188, %select_n3A_176 : vector<16xi1>, vector<16xf32>
      %select_n3A_197 = arith.select %gt3A_194, %add3A_183, %select_n3A_177 : vector<16xi1>, vector<16xi32>
      %select_n3A_198 = arith.select %gt3A_195, %get3A_193, %select_n3A_178 : vector<16xi1>, vector<16xf32>
      %select_n3A_199 = arith.select %gt3A_195, %add3A_183, %select_n3A_179 : vector<16xi1>, vector<16xi32>
      %add3A_200 = arith.constant 48 : i32
      %add3A_201 = arith.addi %mul3A_140, %add3A_200 : i32
      %add3A_202 = vector.broadcast %add3A_201 : i32 to vector<16xi32>
      %add3A_203 = arith.addi %add3A_202, %iota3A : vector<16xi32>
      %get3A_204 = arith.constant 0 : i32
      %get3A_205 = arith.index_cast %get3A_204 : i32 to index
      %get3A_206 = arith.index_cast %add3A_201 : i32 to index
      %get3A_207 = tpu.vector_load %arg5[%get3A_205, %get3A_206] {strides = array<i32>} : memref<2x2048xf32, #tpu.memory_space<vmem>>, vector<1x16xf32>,
      %get3A_208 = vector.shape_cast %get3A_207 : vector<1x16xf32> to vector<16xf32>
      %get3A_209 = arith.constant 1 : i32
      %get3A_210 = arith.index_cast %get3A_209 : i32 to index
      %get3A_211 = arith.index_cast %add3A_201 : i32 to index
      %get3A_212 = tpu.vector_load %arg5[%get3A_210, %get3A_211] {strides = array<i32>} : memref<2x2048xf32, #tpu.memory_space<vmem>>, vector<1x16xf32>,
      %get3A_213 = vector.shape_cast %get3A_212 : vector<1x16xf32> to vector<16xf32>
      %gt3A_214 = arith.cmpf ogt, %get3A_208, %select_n3A_196 : vector<16xf32>
      %gt3A_215 = arith.cmpf ogt, %get3A_213, %select_n3A_198 : vector<16xf32>
      %select_n3A_216 = arith.select %gt3A_214, %get3A_208, %select_n3A_196 : vector<16xi1>, vector<16xf32>
      %select_n3A_217 = arith.select %gt3A_214, %add3A_203, %select_n3A_197 : vector<16xi1>, vector<16xi32>
      %select_n3A_218 = arith.select %gt3A_215, %get3A_213, %select_n3A_198 : vector<16xi1>, vector<16xf32>
      %select_n3A_219 = arith.select %gt3A_215, %add3A_203, %select_n3A_199 : vector<16xi1>, vector<16xi32>
      scf.yield %select_n3A_216, %select_n3A_217, %select_n3A_218, %select_n3A_219 : vector<16xf32>, vector<16xi32>, vector<16xf32>, vector<16xi32>
    }
    %scan3A_10 = arith.constant 32 : i32
    %xor3A = arith.constant 8 : i32
    %xor3A_11 = vector.broadcast %xor3A : i32 to vector<16xi32>
    %xor3A_12 = arith.xori %iota3A, %xor3A_11 : vector<16xi32>
    %broadcast_in_dim3A_13 = vector.shape_cast %xor3A_12 : vector<16xi32> to vector<16x1xi32>
    %gather3A = vector.shape_cast %broadcast_in_dim3A_13 : vector<16x1xi32> to vector<16xi32>
    %gather3A_14 = tpu.dynamic_gather %scan3A_9#0[%gather3A] in [0] : vector<16xf32>, vector<16xi32> -> vector<16xf32>
    %broadcast_in_dim3A_15 = vector.shape_cast %xor3A_12 : vector<16xi32> to vector<16x1xi32>
    %gather3A_16 = vector.shape_cast %broadcast_in_dim3A_15 : vector<16x1xi32> to vector<16xi32>
    %gather3A_17 = tpu.dynamic_gather %scan3A_9#1[%gather3A_16] in [0] : vector<16xi32>, vector<16xi32> -> vector<16xi32>
    %broadcast_in_dim3A_18 = vector.shape_cast %xor3A_12 : vector<16xi32> to vector<16x1xi32>
    %gather3A_19 = vector.shape_cast %broadcast_in_dim3A_18 : vector<16x1xi32> to vector<16xi32>
    %gather3A_20 = tpu.dynamic_gather %scan3A_9#2[%gather3A_19] in [0] : vector<16xf32>, vector<16xi32> -> vector<16xf32>
    %broadcast_in_dim3A_21 = vector.shape_cast %xor3A_12 : vector<16xi32> to vector<16x1xi32>
    %gather3A_22 = vector.shape_cast %broadcast_in_dim3A_21 : vector<16x1xi32> to vector<16xi32>
    %gather3A_23 = tpu.dynamic_gather %scan3A_9#3[%gather3A_22] in [0] : vector<16xi32>, vector<16xi32> -> vector<16xi32>
    %gt3A = arith.cmpf ogt, %gather3A_14, %scan3A_9#0 : vector<16xf32>
    %eq3A = arith.cmpf oeq, %gather3A_14, %scan3A_9#0 : vector<16xf32>
    %lt3A = arith.cmpi slt, %gather3A_17, %scan3A_9#1 : vector<16xi32>
    %and3A = arith.andi %eq3A, %lt3A : vector<16xi1>
    %or3A = arith.ori %gt3A, %and3A : vector<16xi1>
    %gt3A_24 = arith.cmpf ogt, %gather3A_20, %scan3A_9#2 : vector<16xf32>
    %eq3A_25 = arith.cmpf oeq, %gather3A_20, %scan3A_9#2 : vector<16xf32>
    %lt3A_26 = arith.cmpi slt, %gather3A_23, %scan3A_9#3 : vector<16xi32>
    %and3A_27 = arith.andi %eq3A_25, %lt3A_26 : vector<16xi1>
    %or3A_28 = arith.ori %gt3A_24, %and3A_27 : vector<16xi1>
    %select_n3A = arith.select %or3A, %gather3A_14, %scan3A_9#0 : vector<16xi1>, vector<16xf32>
    %select_n3A_29 = arith.select %or3A, %gather3A_17, %scan3A_9#1 : vector<16xi1>, vector<16xi32>
    %select_n3A_30 = arith.select %or3A_28, %gather3A_20, %scan3A_9#2 : vector<16xi1>, vector<16xf32>
    %select_n3A_31 = arith.select %or3A_28, %gather3A_23, %scan3A_9#3 : vector<16xi1>, vector<16xi32>
    %xor3A_32 = arith.constant 4 : i32
    %xor3A_33 = vector.broadcast %xor3A_32 : i32 to vector<16xi32>
    %xor3A_34 = arith.xori %iota3A, %xor3A_33 : vector<16xi32>
    %broadcast_in_dim3A_35 = vector.shape_cast %xor3A_34 : vector<16xi32> to vector<16x1xi32>
    %gather3A_36 = vector.shape_cast %broadcast_in_dim3A_35 : vector<16x1xi32> to vector<16xi32>
    %gather3A_37 = tpu.dynamic_gather %select_n3A[%gather3A_36] in [0] : vector<16xf32>, vector<16xi32> -> vector<16xf32>
    %broadcast_in_dim3A_38 = vector.shape_cast %xor3A_34 : vector<16xi32> to vector<16x1xi32>
    %gather3A_39 = vector.shape_cast %broadcast_in_dim3A_38 : vector<16x1xi32> to vector<16xi32>
    %gather3A_40 = tpu.dynamic_gather %select_n3A_29[%gather3A_39] in [0] : vector<16xi32>, vector<16xi32> -> vector<16xi32>
    %broadcast_in_dim3A_41 = vector.shape_cast %xor3A_34 : vector<16xi32> to vector<16x1xi32>
    %gather3A_42 = vector.shape_cast %broadcast_in_dim3A_41 : vector<16x1xi32> to vector<16xi32>
    %gather3A_43 = tpu.dynamic_gather %select_n3A_30[%gather3A_42] in [0] : vector<16xf32>, vector<16xi32> -> vector<16xf32>
    %broadcast_in_dim3A_44 = vector.shape_cast %xor3A_34 : vector<16xi32> to vector<16x1xi32>
    %gather3A_45 = vector.shape_cast %broadcast_in_dim3A_44 : vector<16x1xi32> to vector<16xi32>
    %gather3A_46 = tpu.dynamic_gather %select_n3A_31[%gather3A_45] in [0] : vector<16xi32>, vector<16xi32> -> vector<16xi32>
    %gt3A_47 = arith.cmpf ogt, %gather3A_37, %select_n3A : vector<16xf32>
    %eq3A_48 = arith.cmpf oeq, %gather3A_37, %select_n3A : vector<16xf32>
    %lt3A_49 = arith.cmpi slt, %gather3A_40, %select_n3A_29 : vector<16xi32>
    %and3A_50 = arith.andi %eq3A_48, %lt3A_49 : vector<16xi1>
    %or3A_51 = arith.ori %gt3A_47, %and3A_50 : vector<16xi1>
    %gt3A_52 = arith.cmpf ogt, %gather3A_43, %select_n3A_30 : vector<16xf32>
    %eq3A_53 = arith.cmpf oeq, %gather3A_43, %select_n3A_30 : vector<16xf32>
    %lt3A_54 = arith.cmpi slt, %gather3A_46, %select_n3A_31 : vector<16xi32>
    %and3A_55 = arith.andi %eq3A_53, %lt3A_54 : vector<16xi1>
    %or3A_56 = arith.ori %gt3A_52, %and3A_55 : vector<16xi1>
    %select_n3A_57 = arith.select %or3A_51, %gather3A_37, %select_n3A : vector<16xi1>, vector<16xf32>
    %select_n3A_58 = arith.select %or3A_51, %gather3A_40, %select_n3A_29 : vector<16xi1>, vector<16xi32>
    %select_n3A_59 = arith.select %or3A_56, %gather3A_43, %select_n3A_30 : vector<16xi1>, vector<16xf32>
    %select_n3A_60 = arith.select %or3A_56, %gather3A_46, %select_n3A_31 : vector<16xi1>, vector<16xi32>
    %xor3A_61 = arith.constant 2 : i32
    %xor3A_62 = vector.broadcast %xor3A_61 : i32 to vector<16xi32>
    %xor3A_63 = arith.xori %iota3A, %xor3A_62 : vector<16xi32>
    %broadcast_in_dim3A_64 = vector.shape_cast %xor3A_63 : vector<16xi32> to vector<16x1xi32>
    %gather3A_65 = vector.shape_cast %broadcast_in_dim3A_64 : vector<16x1xi32> to vector<16xi32>
    %gather3A_66 = tpu.dynamic_gather %select_n3A_57[%gather3A_65] in [0] : vector<16xf32>, vector<16xi32> -> vector<16xf32>
    %broadcast_in_dim3A_67 = vector.shape_cast %xor3A_63 : vector<16xi32> to vector<16x1xi32>
    %gather3A_68 = vector.shape_cast %broadcast_in_dim3A_67 : vector<16x1xi32> to vector<16xi32>
    %gather3A_69 = tpu.dynamic_gather %select_n3A_58[%gather3A_68] in [0] : vector<16xi32>, vector<16xi32> -> vector<16xi32>
    %broadcast_in_dim3A_70 = vector.shape_cast %xor3A_63 : vector<16xi32> to vector<16x1xi32>
    %gather3A_71 = vector.shape_cast %broadcast_in_dim3A_70 : vector<16x1xi32> to vector<16xi32>
    %gather3A_72 = tpu.dynamic_gather %select_n3A_59[%gather3A_71] in [0] : vector<16xf32>, vector<16xi32> -> vector<16xf32>
    %broadcast_in_dim3A_73 = vector.shape_cast %xor3A_63 : vector<16xi32> to vector<16x1xi32>
    %gather3A_74 = vector.shape_cast %broadcast_in_dim3A_73 : vector<16x1xi32> to vector<16xi32>
    %gather3A_75 = tpu.dynamic_gather %select_n3A_60[%gather3A_74] in [0] : vector<16xi32>, vector<16xi32> -> vector<16xi32>
    %gt3A_76 = arith.cmpf ogt, %gather3A_66, %select_n3A_57 : vector<16xf32>
    %eq3A_77 = arith.cmpf oeq, %gather3A_66, %select_n3A_57 : vector<16xf32>
    %lt3A_78 = arith.cmpi slt, %gather3A_69, %select_n3A_58 : vector<16xi32>
    %and3A_79 = arith.andi %eq3A_77, %lt3A_78 : vector<16xi1>
    %or3A_80 = arith.ori %gt3A_76, %and3A_79 : vector<16xi1>
    %gt3A_81 = arith.cmpf ogt, %gather3A_72, %select_n3A_59 : vector<16xf32>
    %eq3A_82 = arith.cmpf oeq, %gather3A_72, %select_n3A_59 : vector<16xf32>
    %lt3A_83 = arith.cmpi slt, %gather3A_75, %select_n3A_60 : vector<16xi32>
    %and3A_84 = arith.andi %eq3A_82, %lt3A_83 : vector<16xi1>
    %or3A_85 = arith.ori %gt3A_81, %and3A_84 : vector<16xi1>
    %select_n3A_86 = arith.select %or3A_80, %gather3A_66, %select_n3A_57 : vector<16xi1>, vector<16xf32>
    %select_n3A_87 = arith.select %or3A_80, %gather3A_69, %select_n3A_58 : vector<16xi1>, vector<16xi32>
    %select_n3A_88 = arith.select %or3A_85, %gather3A_72, %select_n3A_59 : vector<16xi1>, vector<16xf32>
    %select_n3A_89 = arith.select %or3A_85, %gather3A_75, %select_n3A_60 : vector<16xi1>, vector<16xi32>
    %xor3A_90 = arith.constant 1 : i32
    %xor3A_91 = vector.broadcast %xor3A_90 : i32 to vector<16xi32>
    %xor3A_92 = arith.xori %iota3A, %xor3A_91 : vector<16xi32>
    %broadcast_in_dim3A_93 = vector.shape_cast %xor3A_92 : vector<16xi32> to vector<16x1xi32>
    %gather3A_94 = vector.shape_cast %broadcast_in_dim3A_93 : vector<16x1xi32> to vector<16xi32>
    %gather3A_95 = tpu.dynamic_gather %select_n3A_86[%gather3A_94] in [0] : vector<16xf32>, vector<16xi32> -> vector<16xf32>
    %broadcast_in_dim3A_96 = vector.shape_cast %xor3A_92 : vector<16xi32> to vector<16x1xi32>
    %gather3A_97 = vector.shape_cast %broadcast_in_dim3A_96 : vector<16x1xi32> to vector<16xi32>
    %gather3A_98 = tpu.dynamic_gather %select_n3A_87[%gather3A_97] in [0] : vector<16xi32>, vector<16xi32> -> vector<16xi32>
    %broadcast_in_dim3A_99 = vector.shape_cast %xor3A_92 : vector<16xi32> to vector<16x1xi32>
    %gather3A_100 = vector.shape_cast %broadcast_in_dim3A_99 : vector<16x1xi32> to vector<16xi32>
    %gather3A_101 = tpu.dynamic_gather %select_n3A_88[%gather3A_100] in [0] : vector<16xf32>, vector<16xi32> -> vector<16xf32>
    %broadcast_in_dim3A_102 = vector.shape_cast %xor3A_92 : vector<16xi32> to vector<16x1xi32>
    %gather3A_103 = vector.shape_cast %broadcast_in_dim3A_102 : vector<16x1xi32> to vector<16xi32>
    %gather3A_104 = tpu.dynamic_gather %select_n3A_89[%gather3A_103] in [0] : vector<16xi32>, vector<16xi32> -> vector<16xi32>
    %gt3A_105 = arith.cmpf ogt, %gather3A_95, %select_n3A_86 : vector<16xf32>
    %eq3A_106 = arith.cmpf oeq, %gather3A_95, %select_n3A_86 : vector<16xf32>
    %lt3A_107 = arith.cmpi slt, %gather3A_98, %select_n3A_87 : vector<16xi32>
    %and3A_108 = arith.andi %eq3A_106, %lt3A_107 : vector<16xi1>
    %or3A_109 = arith.ori %gt3A_105, %and3A_108 : vector<16xi1>
    %gt3A_110 = arith.cmpf ogt, %gather3A_101, %select_n3A_88 : vector<16xf32>
    %eq3A_111 = arith.cmpf oeq, %gather3A_101, %select_n3A_88 : vector<16xf32>
    %lt3A_112 = arith.cmpi slt, %gather3A_104, %select_n3A_89 : vector<16xi32>
    %and3A_113 = arith.andi %eq3A_111, %lt3A_112 : vector<16xi1>
    %or3A_114 = arith.ori %gt3A_110, %and3A_113 : vector<16xi1>
    %select_n3A_115 = arith.select %or3A_109, %gather3A_95, %select_n3A_86 : vector<16xi1>, vector<16xf32>
    %select_n3A_116 = arith.select %or3A_109, %gather3A_98, %select_n3A_87 : vector<16xi1>, vector<16xi32>
    %select_n3A_117 = arith.select %or3A_114, %gather3A_101, %select_n3A_88 : vector<16xi1>, vector<16xf32>
    %select_n3A_118 = arith.select %or3A_114, %gather3A_104, %select_n3A_89 : vector<16xi1>, vector<16xi32>
    %eq3A_119 = arith.constant 1 : i32
    %eq3A_120 = vector.broadcast %eq3A_119 : i32 to vector<16xi32>
    %eq3A_121 = arith.cmpi eq, %iota3A, %eq3A_120 : vector<16xi32>
    %select_n3A_122 = arith.select %eq3A_121, %select_n3A_118, %select_n3A_116 : vector<16xi1>, vector<16xi32>
    %swap3A = arith.constant 0 : index
    %swap3A_123 = tpu.vector_load %arg6[%swap3A] {strides = array<i32>} : memref<16xi32, #tpu.memory_space<vmem>>, vector<16xi32>,
    %swap3A_124 = vector.shape_cast %swap3A_123 : vector<16xi32> to vector<16xi32>
    %swap3A_125 = vector.shape_cast %select_n3A_122 : vector<16xi32> to vector<16xi32>
    tpu.vector_store %arg6[%swap3A], %swap3A_125 {strides = array<i32>} : memref<16xi32, #tpu.memory_space<vmem>>, vector<16xi32>,
    %dma_start3A = arith.constant 0 : i32
    %dma_start3A_126 = tpu.memref_slice %arg6[%dma_start3A] : memref<16xi32, #tpu.memory_space<vmem>> -> memref<2xi32, #tpu.memory_space<vmem>>
    %dma_start3A_127 = arith.constant 0 : i32
    %dma_start3A_128 = arith.constant 0 : i32
    %dma_start3A_129 = tpu.memref_slice %arg3[%dma_start3A_127, %dma_start3A_128] : memref<2048x2048xf32, #tpu.memory_space<hbm>> -> memref<2048x2048xf32, #tpu.memory_space<hbm>>
    tpu.enqueue_indirect_dma source(%dma_start3A_129 : memref<2048x2048xf32, #tpu.memory_space<hbm>>) target(%arg7 : memref<2x2048xf32, #tpu.memory_space<vmem>>) offsets(%dma_start3A_126 : memref<2xi32, #tpu.memory_space<vmem>>) semaphore(%arg8 : memref<!tpu.dma_semaphore, #tpu.memory_space<semaphore_mem>>)
    %dma_wait3A = arith.constant 0 : i32
    %dma_wait3A_130 = tpu.memref_slice %arg6[%dma_wait3A] : memref<16xi32, #tpu.memory_space<vmem>> -> memref<2xi32, #tpu.memory_space<vmem>>
    %dma_wait3A_131 = arith.constant 0 : i32
    %dma_wait3A_132 = arith.constant 0 : i32
    %dma_wait3A_133 = tpu.memref_slice %arg3[%dma_wait3A_131, %dma_wait3A_132] : memref<2048x2048xf32, #tpu.memory_space<hbm>> -> memref<2048x2048xf32, #tpu.memory_space<hbm>>
    tpu.wait_indirect_dma semaphore(%arg8 : memref<!tpu.dma_semaphore, #tpu.memory_space<semaphore_mem>>) src(%dma_wait3A_133 : memref<2048x2048xf32, #tpu.memory_space<hbm>>) dst(%arg7 : memref<2x2048xf32, #tpu.memory_space<vmem>>)
    "tpu.region"() ({
      %run_scoped3A = tpu.sem_alloc : memref<!tpu.dma_semaphore, #tpu.memory_space<semaphore_mem>>
      %dma_start3A_134 = arith.constant 0 : i32
      %dma_start3A_135 = tpu.memref_slice %arg4[%mul3A_2, %dma_start3A_134] : memref<64x2048xf32, #tpu.memory_space<hbm>> -> memref<2x2048xf32, #tpu.memory_space<hbm>>
      %dma_start3A_136 = arith.constant 0 : i32
      %dma_start3A_137 = tpu.memref_slice %arg4[%mul3A_2, %dma_start3A_136] : memref<64x2048xf32, #tpu.memory_space<hbm>> -> memref<2x2048xf32, #tpu.memory_space<hbm>>
      tpu.enqueue_dma source(%arg7 : memref<2x2048xf32, #tpu.memory_space<vmem>>) target(%dma_start3A_137 : memref<2x2048xf32, #tpu.memory_space<hbm>>) target_semaphore(%run_scoped3A : memref<!tpu.dma_semaphore, #tpu.memory_space<semaphore_mem>>)
      %dma_wait3A_138 = arith.constant 0 : i32
      %dma_wait3A_139 = tpu.memref_slice %arg4[%mul3A_2, %dma_wait3A_138] : memref<64x2048xf32, #tpu.memory_space<hbm>> -> memref<2x2048xf32, #tpu.memory_space<hbm>>
      %dma_wait3A_140 = arith.constant 0 : i32
      %dma_wait3A_141 = tpu.memref_slice %arg4[%mul3A_2, %dma_wait3A_140] : memref<64x2048xf32, #tpu.memory_space<hbm>> -> memref<2x2048xf32, #tpu.memory_space<hbm>>
      tpu.wait_dma2 semaphore(%run_scoped3A : memref<!tpu.dma_semaphore, #tpu.memory_space<semaphore_mem>>) src(%arg7 : memref<2x2048xf32, #tpu.memory_space<vmem>>) dst(%dma_wait3A_141 : memref<2x2048xf32, #tpu.memory_space<hbm>>)
      tpu.yield
    }) : () -> ()
    return
  }
}

module attributes {stable_mosaic.version = 14 : i64} {
  func.func @_mm_body(%arg0: i32, %arg1: memref<64x2048xf32, #tpu.memory_space<vmem>>, %arg2: memref<2048x1024xf32, #tpu.memory_space<vmem>>, %arg3: memref<1x16x4x1024xf32, #tpu.memory_space<vmem>>) attributes {dimension_semantics = [#tpu.dimension_semantics<arbitrary>], iteration_bounds = array<i64: 16>, scalar_prefetch = 0 : i64, scratch_operands = 0 : i64, tpu.core_type = #tpu.core_type<tc>, window_params = [{pipeline_mode = #tpu.pipeline_mode<synchronous>, transform_indices = @transform_0, window_bounds = array<i64: 64, 2048>}, {transform_indices = @transform_1, window_bounds = array<i64: 2048, 1024>}, {transform_indices = @transform_2, window_bounds = array<i64: 1, 16, 4, 1024>}]} {
    %get3A = arith.constant 0 : index
    %get3A_0 = arith.constant 0 : index
    %get3A_1 = vector.load %arg1[%get3A, %get3A_0] : memref<64x2048xf32, #tpu.memory_space<vmem>>, vector<64x2048xf32>
    %get3A_2 = arith.constant 0 : index
    %get3A_3 = arith.constant 0 : index
    %get3A_4 = vector.load %arg2[%get3A_2, %get3A_3] : memref<2048x1024xf32, #tpu.memory_space<vmem>>, vector<2048x1024xf32>
    %dot_general3A = arith.constant dense<0.000000e+00> : vector<64x1024xf32>
    %dot_general3A_5 = tpu.matmul %get3A_1, %get3A_4, %dot_general3A {dimension_numbers = #tpu.dot_dimension_numbers<[1], [0], [0], [1], [0, 0, 1, 1], [], []>, transpose_lhs_hint = false} : vector<64x2048xf32>, vector<2048x1024xf32>, vector<64x1024xf32> -> vector<64x1024xf32>
    %slice3A = vector.extract_strided_slice %dot_general3A_5 {offsets = [0, 0], sizes = [4, 1024], strides = [1, 1]} : vector<64x1024xf32> to vector<4x1024xf32>
    %swap3A = arith.constant 0 : index
    %swap3A_6 = arith.constant 0 : index
    %swap3A_7 = arith.constant 0 : index
    %swap3A_8 = arith.constant 0 : index
    %swap3A_9 = vector.load %arg3[%swap3A, %swap3A_6, %swap3A_7, %swap3A_8] : memref<1x16x4x1024xf32, #tpu.memory_space<vmem>>, vector<1x1x4x1024xf32>
    %swap3A_10 = vector.shape_cast %swap3A_9 : vector<1x1x4x1024xf32> to vector<4x1024xf32>
    %swap3A_11 = vector.shape_cast %slice3A : vector<4x1024xf32> to vector<1x1x4x1024xf32>
    tpu.vector_store %arg3[%swap3A, %swap3A_6, %swap3A_7, %swap3A_8], %swap3A_11 {strides = array<i32>} : memref<1x16x4x1024xf32, #tpu.memory_space<vmem>>, vector<1x1x4x1024xf32>,
    %slice3A_12 = vector.extract_strided_slice %dot_general3A_5 {offsets = [4, 0], sizes = [4, 1024], strides = [1, 1]} : vector<64x1024xf32> to vector<4x1024xf32>
    %swap3A_13 = arith.constant 0 : index
    %swap3A_14 = arith.constant 1 : index
    %swap3A_15 = arith.constant 0 : index
    %swap3A_16 = arith.constant 0 : index
    %swap3A_17 = vector.load %arg3[%swap3A_13, %swap3A_14, %swap3A_15, %swap3A_16] : memref<1x16x4x1024xf32, #tpu.memory_space<vmem>>, vector<1x1x4x1024xf32>
    %swap3A_18 = vector.shape_cast %swap3A_17 : vector<1x1x4x1024xf32> to vector<4x1024xf32>
    %swap3A_19 = vector.shape_cast %slice3A_12 : vector<4x1024xf32> to vector<1x1x4x1024xf32>
    tpu.vector_store %arg3[%swap3A_13, %swap3A_14, %swap3A_15, %swap3A_16], %swap3A_19 {strides = array<i32>} : memref<1x16x4x1024xf32, #tpu.memory_space<vmem>>, vector<1x1x4x1024xf32>,
    %slice3A_20 = vector.extract_strided_slice %dot_general3A_5 {offsets = [8, 0], sizes = [4, 1024], strides = [1, 1]} : vector<64x1024xf32> to vector<4x1024xf32>
    %swap3A_21 = arith.constant 0 : index
    %swap3A_22 = arith.constant 2 : index
    %swap3A_23 = arith.constant 0 : index
    %swap3A_24 = arith.constant 0 : index
    %swap3A_25 = vector.load %arg3[%swap3A_21, %swap3A_22, %swap3A_23, %swap3A_24] : memref<1x16x4x1024xf32, #tpu.memory_space<vmem>>, vector<1x1x4x1024xf32>
    %swap3A_26 = vector.shape_cast %swap3A_25 : vector<1x1x4x1024xf32> to vector<4x1024xf32>
    %swap3A_27 = vector.shape_cast %slice3A_20 : vector<4x1024xf32> to vector<1x1x4x1024xf32>
    tpu.vector_store %arg3[%swap3A_21, %swap3A_22, %swap3A_23, %swap3A_24], %swap3A_27 {strides = array<i32>} : memref<1x16x4x1024xf32, #tpu.memory_space<vmem>>, vector<1x1x4x1024xf32>,
    %slice3A_28 = vector.extract_strided_slice %dot_general3A_5 {offsets = [12, 0], sizes = [4, 1024], strides = [1, 1]} : vector<64x1024xf32> to vector<4x1024xf32>
    %swap3A_29 = arith.constant 0 : index
    %swap3A_30 = arith.constant 3 : index
    %swap3A_31 = arith.constant 0 : index
    %swap3A_32 = arith.constant 0 : index
    %swap3A_33 = vector.load %arg3[%swap3A_29, %swap3A_30, %swap3A_31, %swap3A_32] : memref<1x16x4x1024xf32, #tpu.memory_space<vmem>>, vector<1x1x4x1024xf32>
    %swap3A_34 = vector.shape_cast %swap3A_33 : vector<1x1x4x1024xf32> to vector<4x1024xf32>
    %swap3A_35 = vector.shape_cast %slice3A_28 : vector<4x1024xf32> to vector<1x1x4x1024xf32>
    tpu.vector_store %arg3[%swap3A_29, %swap3A_30, %swap3A_31, %swap3A_32], %swap3A_35 {strides = array<i32>} : memref<1x16x4x1024xf32, #tpu.memory_space<vmem>>, vector<1x1x4x1024xf32>,
    %slice3A_36 = vector.extract_strided_slice %dot_general3A_5 {offsets = [16, 0], sizes = [4, 1024], strides = [1, 1]} : vector<64x1024xf32> to vector<4x1024xf32>
    %swap3A_37 = arith.constant 0 : index
    %swap3A_38 = arith.constant 4 : index
    %swap3A_39 = arith.constant 0 : index
    %swap3A_40 = arith.constant 0 : index
    %swap3A_41 = vector.load %arg3[%swap3A_37, %swap3A_38, %swap3A_39, %swap3A_40] : memref<1x16x4x1024xf32, #tpu.memory_space<vmem>>, vector<1x1x4x1024xf32>
    %swap3A_42 = vector.shape_cast %swap3A_41 : vector<1x1x4x1024xf32> to vector<4x1024xf32>
    %swap3A_43 = vector.shape_cast %slice3A_36 : vector<4x1024xf32> to vector<1x1x4x1024xf32>
    tpu.vector_store %arg3[%swap3A_37, %swap3A_38, %swap3A_39, %swap3A_40], %swap3A_43 {strides = array<i32>} : memref<1x16x4x1024xf32, #tpu.memory_space<vmem>>, vector<1x1x4x1024xf32>,
    %slice3A_44 = vector.extract_strided_slice %dot_general3A_5 {offsets = [20, 0], sizes = [4, 1024], strides = [1, 1]} : vector<64x1024xf32> to vector<4x1024xf32>
    %swap3A_45 = arith.constant 0 : index
    %swap3A_46 = arith.constant 5 : index
    %swap3A_47 = arith.constant 0 : index
    %swap3A_48 = arith.constant 0 : index
    %swap3A_49 = vector.load %arg3[%swap3A_45, %swap3A_46, %swap3A_47, %swap3A_48] : memref<1x16x4x1024xf32, #tpu.memory_space<vmem>>, vector<1x1x4x1024xf32>
    %swap3A_50 = vector.shape_cast %swap3A_49 : vector<1x1x4x1024xf32> to vector<4x1024xf32>
    %swap3A_51 = vector.shape_cast %slice3A_44 : vector<4x1024xf32> to vector<1x1x4x1024xf32>
    tpu.vector_store %arg3[%swap3A_45, %swap3A_46, %swap3A_47, %swap3A_48], %swap3A_51 {strides = array<i32>} : memref<1x16x4x1024xf32, #tpu.memory_space<vmem>>, vector<1x1x4x1024xf32>,
    %slice3A_52 = vector.extract_strided_slice %dot_general3A_5 {offsets = [24, 0], sizes = [4, 1024], strides = [1, 1]} : vector<64x1024xf32> to vector<4x1024xf32>
    %swap3A_53 = arith.constant 0 : index
    %swap3A_54 = arith.constant 6 : index
    %swap3A_55 = arith.constant 0 : index
    %swap3A_56 = arith.constant 0 : index
    %swap3A_57 = vector.load %arg3[%swap3A_53, %swap3A_54, %swap3A_55, %swap3A_56] : memref<1x16x4x1024xf32, #tpu.memory_space<vmem>>, vector<1x1x4x1024xf32>
    %swap3A_58 = vector.shape_cast %swap3A_57 : vector<1x1x4x1024xf32> to vector<4x1024xf32>
    %swap3A_59 = vector.shape_cast %slice3A_52 : vector<4x1024xf32> to vector<1x1x4x1024xf32>
    tpu.vector_store %arg3[%swap3A_53, %swap3A_54, %swap3A_55, %swap3A_56], %swap3A_59 {strides = array<i32>} : memref<1x16x4x1024xf32, #tpu.memory_space<vmem>>, vector<1x1x4x1024xf32>,
    %slice3A_60 = vector.extract_strided_slice %dot_general3A_5 {offsets = [28, 0], sizes = [4, 1024], strides = [1, 1]} : vector<64x1024xf32> to vector<4x1024xf32>
    %swap3A_61 = arith.constant 0 : index
    %swap3A_62 = arith.constant 7 : index
    %swap3A_63 = arith.constant 0 : index
    %swap3A_64 = arith.constant 0 : index
    %swap3A_65 = vector.load %arg3[%swap3A_61, %swap3A_62, %swap3A_63, %swap3A_64] : memref<1x16x4x1024xf32, #tpu.memory_space<vmem>>, vector<1x1x4x1024xf32>
    %swap3A_66 = vector.shape_cast %swap3A_65 : vector<1x1x4x1024xf32> to vector<4x1024xf32>
    %swap3A_67 = vector.shape_cast %slice3A_60 : vector<4x1024xf32> to vector<1x1x4x1024xf32>
    tpu.vector_store %arg3[%swap3A_61, %swap3A_62, %swap3A_63, %swap3A_64], %swap3A_67 {strides = array<i32>} : memref<1x16x4x1024xf32, #tpu.memory_space<vmem>>, vector<1x1x4x1024xf32>,
    %slice3A_68 = vector.extract_strided_slice %dot_general3A_5 {offsets = [32, 0], sizes = [4, 1024], strides = [1, 1]} : vector<64x1024xf32> to vector<4x1024xf32>
    %swap3A_69 = arith.constant 0 : index
    %swap3A_70 = arith.constant 8 : index
    %swap3A_71 = arith.constant 0 : index
    %swap3A_72 = arith.constant 0 : index
    %swap3A_73 = vector.load %arg3[%swap3A_69, %swap3A_70, %swap3A_71, %swap3A_72] : memref<1x16x4x1024xf32, #tpu.memory_space<vmem>>, vector<1x1x4x1024xf32>
    %swap3A_74 = vector.shape_cast %swap3A_73 : vector<1x1x4x1024xf32> to vector<4x1024xf32>
    %swap3A_75 = vector.shape_cast %slice3A_68 : vector<4x1024xf32> to vector<1x1x4x1024xf32>
    tpu.vector_store %arg3[%swap3A_69, %swap3A_70, %swap3A_71, %swap3A_72], %swap3A_75 {strides = array<i32>} : memref<1x16x4x1024xf32, #tpu.memory_space<vmem>>, vector<1x1x4x1024xf32>,
    %slice3A_76 = vector.extract_strided_slice %dot_general3A_5 {offsets = [36, 0], sizes = [4, 1024], strides = [1, 1]} : vector<64x1024xf32> to vector<4x1024xf32>
    %swap3A_77 = arith.constant 0 : index
    %swap3A_78 = arith.constant 9 : index
    %swap3A_79 = arith.constant 0 : index
    %swap3A_80 = arith.constant 0 : index
    %swap3A_81 = vector.load %arg3[%swap3A_77, %swap3A_78, %swap3A_79, %swap3A_80] : memref<1x16x4x1024xf32, #tpu.memory_space<vmem>>, vector<1x1x4x1024xf32>
    %swap3A_82 = vector.shape_cast %swap3A_81 : vector<1x1x4x1024xf32> to vector<4x1024xf32>
    %swap3A_83 = vector.shape_cast %slice3A_76 : vector<4x1024xf32> to vector<1x1x4x1024xf32>
    tpu.vector_store %arg3[%swap3A_77, %swap3A_78, %swap3A_79, %swap3A_80], %swap3A_83 {strides = array<i32>} : memref<1x16x4x1024xf32, #tpu.memory_space<vmem>>, vector<1x1x4x1024xf32>,
    %slice3A_84 = vector.extract_strided_slice %dot_general3A_5 {offsets = [40, 0], sizes = [4, 1024], strides = [1, 1]} : vector<64x1024xf32> to vector<4x1024xf32>
    %swap3A_85 = arith.constant 0 : index
    %swap3A_86 = arith.constant 10 : index
    %swap3A_87 = arith.constant 0 : index
    %swap3A_88 = arith.constant 0 : index
    %swap3A_89 = vector.load %arg3[%swap3A_85, %swap3A_86, %swap3A_87, %swap3A_88] : memref<1x16x4x1024xf32, #tpu.memory_space<vmem>>, vector<1x1x4x1024xf32>
    %swap3A_90 = vector.shape_cast %swap3A_89 : vector<1x1x4x1024xf32> to vector<4x1024xf32>
    %swap3A_91 = vector.shape_cast %slice3A_84 : vector<4x1024xf32> to vector<1x1x4x1024xf32>
    tpu.vector_store %arg3[%swap3A_85, %swap3A_86, %swap3A_87, %swap3A_88], %swap3A_91 {strides = array<i32>} : memref<1x16x4x1024xf32, #tpu.memory_space<vmem>>, vector<1x1x4x1024xf32>,
    %slice3A_92 = vector.extract_strided_slice %dot_general3A_5 {offsets = [44, 0], sizes = [4, 1024], strides = [1, 1]} : vector<64x1024xf32> to vector<4x1024xf32>
    %swap3A_93 = arith.constant 0 : index
    %swap3A_94 = arith.constant 11 : index
    %swap3A_95 = arith.constant 0 : index
    %swap3A_96 = arith.constant 0 : index
    %swap3A_97 = vector.load %arg3[%swap3A_93, %swap3A_94, %swap3A_95, %swap3A_96] : memref<1x16x4x1024xf32, #tpu.memory_space<vmem>>, vector<1x1x4x1024xf32>
    %swap3A_98 = vector.shape_cast %swap3A_97 : vector<1x1x4x1024xf32> to vector<4x1024xf32>
    %swap3A_99 = vector.shape_cast %slice3A_92 : vector<4x1024xf32> to vector<1x1x4x1024xf32>
    tpu.vector_store %arg3[%swap3A_93, %swap3A_94, %swap3A_95, %swap3A_96], %swap3A_99 {strides = array<i32>} : memref<1x16x4x1024xf32, #tpu.memory_space<vmem>>, vector<1x1x4x1024xf32>,
    %slice3A_100 = vector.extract_strided_slice %dot_general3A_5 {offsets = [48, 0], sizes = [4, 1024], strides = [1, 1]} : vector<64x1024xf32> to vector<4x1024xf32>
    %swap3A_101 = arith.constant 0 : index
    %swap3A_102 = arith.constant 12 : index
    %swap3A_103 = arith.constant 0 : index
    %swap3A_104 = arith.constant 0 : index
    %swap3A_105 = vector.load %arg3[%swap3A_101, %swap3A_102, %swap3A_103, %swap3A_104] : memref<1x16x4x1024xf32, #tpu.memory_space<vmem>>, vector<1x1x4x1024xf32>
    %swap3A_106 = vector.shape_cast %swap3A_105 : vector<1x1x4x1024xf32> to vector<4x1024xf32>
    %swap3A_107 = vector.shape_cast %slice3A_100 : vector<4x1024xf32> to vector<1x1x4x1024xf32>
    tpu.vector_store %arg3[%swap3A_101, %swap3A_102, %swap3A_103, %swap3A_104], %swap3A_107 {strides = array<i32>} : memref<1x16x4x1024xf32, #tpu.memory_space<vmem>>, vector<1x1x4x1024xf32>,
    %slice3A_108 = vector.extract_strided_slice %dot_general3A_5 {offsets = [52, 0], sizes = [4, 1024], strides = [1, 1]} : vector<64x1024xf32> to vector<4x1024xf32>
    %swap3A_109 = arith.constant 0 : index
    %swap3A_110 = arith.constant 13 : index
    %swap3A_111 = arith.constant 0 : index
    %swap3A_112 = arith.constant 0 : index
    %swap3A_113 = vector.load %arg3[%swap3A_109, %swap3A_110, %swap3A_111, %swap3A_112] : memref<1x16x4x1024xf32, #tpu.memory_space<vmem>>, vector<1x1x4x1024xf32>
    %swap3A_114 = vector.shape_cast %swap3A_113 : vector<1x1x4x1024xf32> to vector<4x1024xf32>
    %swap3A_115 = vector.shape_cast %slice3A_108 : vector<4x1024xf32> to vector<1x1x4x1024xf32>
    tpu.vector_store %arg3[%swap3A_109, %swap3A_110, %swap3A_111, %swap3A_112], %swap3A_115 {strides = array<i32>} : memref<1x16x4x1024xf32, #tpu.memory_space<vmem>>, vector<1x1x4x1024xf32>,
    %slice3A_116 = vector.extract_strided_slice %dot_general3A_5 {offsets = [56, 0], sizes = [4, 1024], strides = [1, 1]} : vector<64x1024xf32> to vector<4x1024xf32>
    %swap3A_117 = arith.constant 0 : index
    %swap3A_118 = arith.constant 14 : index
    %swap3A_119 = arith.constant 0 : index
    %swap3A_120 = arith.constant 0 : index
    %swap3A_121 = vector.load %arg3[%swap3A_117, %swap3A_118, %swap3A_119, %swap3A_120] : memref<1x16x4x1024xf32, #tpu.memory_space<vmem>>, vector<1x1x4x1024xf32>
    %swap3A_122 = vector.shape_cast %swap3A_121 : vector<1x1x4x1024xf32> to vector<4x1024xf32>
    %swap3A_123 = vector.shape_cast %slice3A_116 : vector<4x1024xf32> to vector<1x1x4x1024xf32>
    tpu.vector_store %arg3[%swap3A_117, %swap3A_118, %swap3A_119, %swap3A_120], %swap3A_123 {strides = array<i32>} : memref<1x16x4x1024xf32, #tpu.memory_space<vmem>>, vector<1x1x4x1024xf32>,
    %slice3A_124 = vector.extract_strided_slice %dot_general3A_5 {offsets = [60, 0], sizes = [4, 1024], strides = [1, 1]} : vector<64x1024xf32> to vector<4x1024xf32>
    %swap3A_125 = arith.constant 0 : index
    %swap3A_126 = arith.constant 15 : index
    %swap3A_127 = arith.constant 0 : index
    %swap3A_128 = arith.constant 0 : index
    %swap3A_129 = vector.load %arg3[%swap3A_125, %swap3A_126, %swap3A_127, %swap3A_128] : memref<1x16x4x1024xf32, #tpu.memory_space<vmem>>, vector<1x1x4x1024xf32>
    %swap3A_130 = vector.shape_cast %swap3A_129 : vector<1x1x4x1024xf32> to vector<4x1024xf32>
    %swap3A_131 = vector.shape_cast %slice3A_124 : vector<4x1024xf32> to vector<1x1x4x1024xf32>
    tpu.vector_store %arg3[%swap3A_125, %swap3A_126, %swap3A_127, %swap3A_128], %swap3A_131 {strides = array<i32>} : memref<1x16x4x1024xf32, #tpu.memory_space<vmem>>, vector<1x1x4x1024xf32>,
    return
  }
  func.func @transform_0(%arg0: i32) -> (i32, i32) {
    %c0_i32 = arith.constant 0 : i32
    %c0_i32_0 = arith.constant 0 : i32
    %c0_i32_1 = arith.constant 0 : i32
    return %c0_i32, %c0_i32_0 : i32, i32
  }
  func.func @transform_1(%arg0: i32) -> (i32, i32) {
    %c0_i32 = arith.constant 0 : i32
    %c0_i32_0 = arith.constant 0 : i32
    return %c0_i32, %arg0 : i32, i32
  }
  func.func @transform_2(%arg0: i32) -> (i32, i32, i32, i32) {
    %c0_i32 = arith.constant 0 : i32
    %c0_i32_0 = arith.constant 0 : i32
    %c0_i32_1 = arith.constant 0 : i32
    %c0_i32_2 = arith.constant 0 : i32
    return %c0_i32, %c0_i32_0, %c0_i32_1, %arg0 : i32, i32, i32, i32
  }
}

</mosaic_0001>

<sc_bundles>
// kernel: kernel.4.cloned.1.call-start
scs
__scs_entry_jumppad:
0x0: {  	(pc) =	sbr.rel $0x88, $3  }
0x1: {  	(tag) =	ssettag $0x0;
	lr =	simm.s32 $0x1  }
0x2: {  	[smem:$0x3F9E] =	sst lr;
	_ =	strace $0xD0000000  }
0x3: {  	_ = 	snop  }
0x4: {  	_ = 	snop  }
0x5: {  	_ = 	snop  }
0x6: {  	_ = 	snop  }
0x7: {  	_ = 	snop  }
__scs_overlays_trampoline_lowered:
0x8: {  	[smem:$0x3FAD] =	sst s0  }
0x9: {  	[smem:$0x3FAE] =	sst s1  }
0xa: {  	[smem:$0x3FAF] =	sst s2  }
0xb: {  	[smem:$0x3FB0] =	sst s3  }
0xc: {  	[smem:$0x3FB1] =	sst s4  }
0xd: {  	[smem:$0x3FB2] =	sst s5  }
0xe: {  	[smem:$0x3FB3] =	sst s6  }
0xf: {  	[smem:$0x3FB4] =	sst s7  }
0x10: {  	[smem:$0x3FB5] =	sst s8  }
0x11: {  	[smem:$0x3FB6] =	sst s9;
	s0 =	simm.s32 @!p0 $0x0  }
0x12: {  	s1 =	sld [smem:$0x3F9C];
	s0 =	simm.s32 @p0 $0x1  }
0x13: {  	[smem:$0x3FB7] =	sst s0;
	s0 =	simm.s32 @!p1 $0x0  }
0x14: {  	s2 =	sld [smem:$0x3F9B];
	s0 =	simm.s32 @p1 $0x1  }
0x15: {  	[smem:$0x3FB8] =	sst s0;
	s0 =	simm.s32 @!p2 $0x0  }
0x16: {  	s3 =	sld [smem:$0x3FDB];
	s0 =	simm.s32 @p2 $0x1  }
0x17: {  	s4 =	simm.s32 $0x1BF5;
	[smem:$0x3FBA] =	sst s0  }
0x18: {  	s0 =	sld [smem:$0x3F9D];
	_ =	swait.ge [sflag:s4], $0x0  }
0x19: {  	s7 =	sld [smem:$0x3F9E]  }
0x1a: {  	s8 =	sadd.s32 $0xFFFFE003, lr  }
0x1b: {  	s9 =	sadd.s32 $0xFFFFFEF7, lr;
	s5 =	simm.s32 $0xFFFFFFFF;
	p2 =	slt.u32 s8, $0xFFFFF086  }
0x1c: {  	p1 =	slt.u32 s9, $0xF7A;
	s5 =	simm.s32 @!p2 $0x0  }
0x1d: {  	s5 =	simm.s32 @p1 $0x1;
	p0 =	seq.s32 s7, s2  }
0x1e: {  	s7 =	smul.u32 @!p0 $0xF7A, s2;
	p2 =	seq.s32 @!p0 s5, $0x0  }
0x1f: {  	s9 =	smul.u32 $0xF7A, s1;
	s8 =	simm.s32 @!p0 $0x1BF5;
	p2 =	por !p2, p0  }
0x20: {  	[sflag:s8] =	ssyncset.s32 @!p0 $0xFFFFF086;
	s6 =	sadd.s32 @!p0 s3, s7;
	s7 =	simm.s32 @!p0 $0x108  }
0x21: {  	s3 =	sadd.s32 s3, s9;
	s6 =	sadd.s32 @!p0 $0x88, s6;
	s7 =	simm.s32 @p2 $0x1082  }
0x22: {  	[simem:s7], [sflag:s8] =	dma.local @!p0 [hbm:s6], $0xF7A  }
0x23: {  	s9 =	sor.u32 $0xD0000000, s2;
	s6 =	simm.s32 $0x108;
	_ =	swait.ge @!p0 [sflag:s8], $0x0  }
0x24: {  	s3 =	sadd.s32 $0x88, s3;
	s6 =	simm.s32 @!p1 $0x1082;
	[sflag:s4] =	ssyncset.s32 $0xFFFFF086  }
0x25: {  	[simem:s6], [sflag:s4] =	dma.local [hbm:s3], $0xF7A  }
0x26: {  	[smem:$0x3F9E] =	sst s1;
	(tag) =	ssettag s2;
	_ =	strace s9  }
0x27: {  	s1 =	sld [smem:$0x3FAE]  }
0x28: {  	s2 =	sld [smem:$0x3FAF]  }
0x29: {  	s4 =	sld [smem:$0x3FB1]  }
0x2a: {  	p0 =	seq.s32 s5, $0x0;
	s5 =	sld [smem:$0x3FB2]  }
0x2b: {  	s6 =	sld [smem:$0x3FB3]  }
0x2c: {  	s7 =	sld [smem:$0x3FB4]  }
0x2d: {  	s3 =	simm.s32 $0x108;
	s8 =	sld [smem:$0x3FB5]  }
0x2e: {  	s3 =	simm.s32 @!p0 $0x1082;
	s9 =	sld [smem:$0x3FB6]  }
0x2f: {  	lr =	sadd.s32 s0, s3;
	s0 =	sld [smem:$0x3FAD]  }
0x30: {  	s3 =	sld [smem:$0x3FB0]  }
0x31: {  	[smem:$0x3FB9] =	sst s10  }
0x32: {  	s10 =	sld [smem:$0x3FB7];
	_ =	sdelay $0x3  }
0x33: {  	p0 =	seq.s32 s10, $0x1;
	s10 =	sld [smem:$0x3FB9];
	_ =	sdelay $0x3  }
0x34: {  	[smem:$0x3FB9] =	sst s10  }
0x35: {  	s10 =	sld [smem:$0x3FB8];
	_ =	sdelay $0x3  }
0x36: {  	p1 =	seq.s32 s10, $0x1;
	s10 =	sld [smem:$0x3FB9];
	_ =	sdelay $0x3  }
0x37: {  	[smem:$0x3FB9] =	sst s10  }
0x38: {  	s10 =	sld [smem:$0x3FBA]  }
0x39: {  	_ = 	snop;
	(pc) =	sbr.ind lr, $3  }
0x3a: {  	_ = 	snop  }
0x3b: {  	_ = 	snop  }
0x3c: {  	p2 =	seq.s32 s10, $0x1;
	s10 =	sld [smem:$0x3FB9]  }
0x3d: {  	_ =	shalt  }
0x3e: {  	_ =	shalt  }
0x3f: {  	_ =	shalt  }
0x40: {  	_ =	shalt  }
0x41: {  	_ =	shalt  }
0x42: {  	_ =	shalt  }
0x43: {  	_ =	shalt  }
0x44: {  	_ =	shalt  }
0x45: {  	_ =	shalt  }
0x46: {  	_ =	shalt  }
0x47: {  	_ =	shalt  }
0x48: {  	_ =	shalt  }
0x49: {  	_ =	shalt  }
0x4a: {  	_ =	shalt  }
0x4b: {  	_ =	shalt  }
0x4c: {  	_ =	shalt  }
0x4d: {  	_ =	shalt  }
0x4e: {  	_ =	shalt  }
0x4f: {  	_ =	shalt  }
0x50: {  	_ =	shalt  }
0x51: {  	_ =	shalt  }
0x52: {  	_ =	shalt  }
0x53: {  	_ =	shalt  }
0x54: {  	_ =	shalt  }
0x55: {  	_ =	shalt  }
0x56: {  	_ =	shalt  }
0x57: {  	_ =	shalt  }
0x58: {  	_ =	shalt  }
0x59: {  	_ =	shalt  }
0x5a: {  	_ =	shalt  }
0x5b: {  	_ =	shalt  }
0x5c: {  	_ =	shalt  }
0x5d: {  	_ =	shalt  }
0x5e: {  	_ =	shalt  }
0x5f: {  	_ =	shalt  }
0x60: {  	_ =	shalt  }
0x61: {  	_ =	shalt  }
0x62: {  	_ =	shalt  }
0x63: {  	_ =	shalt  }
0x64: {  	_ =	shalt  }
0x65: {  	_ =	shalt  }
0x66: {  	_ =	shalt  }
0x67: {  	_ =	shalt  }
0x68: {  	_ =	shalt  }
0x69: {  	_ =	shalt  }
0x6a: {  	_ =	shalt  }
0x6b: {  	_ =	shalt  }
0x6c: {  	_ =	shalt  }
0x6d: {  	_ =	shalt  }
0x6e: {  	_ =	shalt  }
0x6f: {  	_ =	shalt  }
0x70: {  	_ =	shalt  }
0x71: {  	_ =	shalt  }
0x72: {  	_ =	shalt  }
0x73: {  	_ =	shalt  }
0x74: {  	_ =	shalt  }
0x75: {  	_ =	shalt  }
0x76: {  	_ =	shalt  }
0x77: {  	_ =	shalt  }
0x78: {  	_ =	shalt  }
0x79: {  	_ =	shalt  }
0x7a: {  	_ =	shalt  }
0x7b: {  	_ =	shalt  }
0x7c: {  	_ =	shalt  }
0x7d: {  	_ =	shalt  }
0x7e: {  	_ =	shalt  }
0x7f: {  	_ =	shalt  }
0x80: {  	_ =	shalt  }
0x81: {  	_ =	shalt  }
0x82: {  	_ =	shalt  }
0x83: {  	_ =	shalt  }
0x84: {  	_ =	shalt  }
0x85: {  	_ =	shalt  }
0x86: {  	_ =	shalt  }
0x87: {  	_ =	shalt  }
.Lfunc_end0:
.L_simem_size_0:
called_computation_lowered:
.L_overlay_start_0:
0x88: {  	s2 =	sld [smem:$0x3FD9]  }
0x89: {  	s3 =	sld [smem:$0x3FFE];
	_ =	sdelay $0x1  }
0x8a: {  	s1 =	srdreg.scid  }
0x8b: {  	s0 =	sand.u32 $0x1, s1  }
0x8c: {  	s17 =	sshll.u32 s0, $0xA;
	s2 =	sadd.s32 s3, s2  }
0x8d: {  	s2 =	sadd.s32 s2, s17  }
0x8e: {  	[smem:$0x3FC5] =	sst s2  }
0x8f: {  	_ = 	snop  }
0x90: {  	s2 =	sld [smem:$0x3FC8]  }
0x91: {  	s18 =	sld [smem:$0x3FD0];
	(tm) =	ssettm $0x1  }
0x92: {  	s4 =	sld [smem:$0x3FFB];
	_ =	sdelay $0x3  }
0x93: {  	_ =	strace s4  }
0x94: {  	s4 =	sld [smem:$0x3FFC];
	_ =	sdelay $0x3  }
0x95: {  	_ =	strace s4  }
0x96: {  	s4 =	sld [smem:$0x3FFD];
	_ =	sdelay $0x3  }
0x97: {  	_ =	strace s4  }
0x98: {  	_ =	strace $0x8FFFFFFF  }
0x99: {  	s19 =	sld [smem:$0x3FDB];
	_ =	sdelay $0x1  }
0x9a: {  	s5 =	simm.s32 $_scs_section_size  }
0x9b: {  	s6 =	simm.s32 $_size__tile_overlayer_lowered;
	s7 =	simm.s32 $_tile_overlayer_lowered  }
0x9c: {  	s22 =	simm.s32 $0x1BFF;
	s21 =	sshll.u32 s7, $0x1;
	s4 =	sadd.s32 s5, s19  }
0x9d: {  	s8 =	simm.s32 $0x0;
	s20 =	sshll.u32 s6, $0x1;
	s6 =	sadd.s32 s21, s4  }
0x9e: {  	[timem:s8], [sflag:s22] =	dma.local [hbm:s6], s20  }
0x9f: {  	_ =	swait.ge [sflag:s22], s20  }
0xa0: {  	s5 =	ssub.s32 $0x0, s20;
	[sflag:s22] =	ssyncset.done $0x0  }
0xa1: {  	[sflag:s22] =	ssyncadd.s32 s5;
	_ =	sdelay $0x1  }
0xa2: {  	s23 =	simm.s32 $0x1B8B  }
0xa3: {  	_ =	swait.ge [sflag:s23], $0x1  }
0xa4: {  	[sflag:s23] =	ssyncset.done $0x0  }
0xa5: {  	s25 =	simm.s32 $0x1B8E;
	s24 =	sld [smem:$0x3FFE];
	[sflag:s23] =	ssyncadd.s32 $0xFFFFFFFF  }
0xa6: {  	s26 =	simm.s32 $execute0_lowered;
	[smem:$0x3FD2] =	sst s25  }
0xa7: {  	s6 =	sshll.u32 s26, $0x1;
	_ =	strace $0x80000046;
	[dreg:$0x1] =	wrdreg $0xFFFFFFFF  }
0xa8: {  	s28 =	simm.s32 $_size_execute0_lowered;
	s4 =	sadd.s32 s4, s6;
	[dreg:$0x0] =	wrdreg $0x0  }
0xa9: {  	s6 =	sshll.u32 s28, $0x1;
	[dreg:$0x2] =	wrdreg s4  }
0xaa: {  	[dreg:$0x3] =	wrdreg s6  }
0xab: {  	[dreg:$0x4] =	wrdreg $0xC0  }
0xac: {  	_ =	task [dreg:s8], $0x5FFFF  }
0xad: {  	[dreg:$0x1] =	wrdreg $0xFFFFFFFF  }
0xae: {  	[dreg:$0x0] =	wrdreg $0x60  }
0xaf: {  	[dreg:$0x2] =	wrdreg s18  }
0xb0: {  	[dreg:$0x3] =	wrdreg s2  }
0xb1: {  	[dreg:$0x4] =	wrdreg s24  }
0xb2: {  	[dreg:$0x5] =	wrdreg $0x9  }
0xb3: {  	_ =	task.clear_ibuf [dreg:s8], $0x6FFFF;
	_ =	strace $0x90000046  }
0xb4: {  	s29 =	simm.s32 $0x9;
	_ =	strace $0x80000048  }
0xb5: {  	_ =	swait.ge [sflag:s29], $0x1  }
0xb6: {  	[sflag:s29] =	ssyncadd.s32 $0xFFFFFFFF  }
0xb7: {  	_ =	strace $0x90000048  }
0xb8: {  	_ =	sfence  }
0xb9: {  	s30 =	sld [smem:$0x0];
	_ =	sdelay $0x2  }
0xba: {  	s31 =	sshll.u32 s1, $0xD;
	s1 =	sshrl.u32 s1, $0x2  }
0xbb: {  	s3 =	sand.u32 $0x4000, s31;
	s1 =	sadd.s32 s1, s30  }
0xbc: {  	s0 =	sor.u32 s3, s0;
	s1 =	sshll.u32 s1, $0x11  }
0xbd: {  	s0 =	sor.u32 s1, s0  }
0xbe: {  	s0 =	sadd.s32 $0x8F2B, s0  }
0xbf: {  	[sflag:s0] =	ssyncadd.remote.s32 $0x1  }
0xc0: {  	_ =	sfence.sel $0xFFFF  }
0xc1: {  	[dreg:$0x0] =	wrdreg $0xFFFFFFFF;
	(pc) =	sbr.abs _section_cstart, $3  }
0xc2: {  	[dreg:$0x1] =	wrdreg $0xFFFFFFFF  }
0xc3: {  	_ =	task.clear_ibuf [dreg:s8], $0x2FFFF;
	_ =	strace $0x9FFFFFFF  }
0xc4: {  	(tm) =	ssettm $0x7FFFFFFF  }
0xc5: {  	_ =	shalt  }
tec
execute0_lowered:
.L_overlay_start_1:
0x0: {  	(tag) =	ssettag $0x1  }
0x1: {  	s4 =	rddreg [dreg:$0x0];
	v0 =	vimm.s32 $0x76543210;
	v1 =	vimm.s32 $0xFEDCBA98  }
0x2: {  	s0 =	rddreg [dreg:$0x1];
	v2 =	vimm.s32 $0xBA98FEDC;
	v3 =	vimm.s32 $0x32107654;
	v4 =	vimm.s32 $0xDCFE98BA  }
0x3: {  	s5 =	rddreg [dreg:$0x2];
	v5 =	vimm.s32 $0x54761032;
	v6 =	vimm.s32 $0xEFCDAB89;
	v7 =	vimm.s32 $0x67452301  }
0x4: {  	s3 =	srdreg.scid;
	s1 =	stileid.u32;
	vm0 =	vcmask $0x308;
	vm1 =	vmmov $0xffff;
	v0 =	vunpack.c.l.s4.s8 v0  }
0x5: {  	s2 =	rddreg [dreg:$0x3];
	s10 =	simm.s32 $0x2;
	s11 =	simm.s32 $0x1;
	v1 =	vunpack.c.l.s4.s8 v1;
	v2 =	vunpack.c.l.s4.s8 v2;
	v3 =	vunpack.c.l.s4.s8 v3  }
0x6: {  	s12 =	simm.s32 $0x1080;
	s13 =	simm.s32 $0x1880;
	s14 =	simm.s32 $0x0;
	v4 =	vunpack.c.l.s4.s8 v4;
	v5 =	vunpack.c.l.s4.s8 v5;
	v6 =	vunpack.c.l.s4.s8 v6  }
0x7: {  	s6 =	sand.u32 $0x1, s3;
	s29 =	sshll.u32 s1, $0x6;
	s8 =	sshll.u32 s1, $0xA;
	v7 =	vunpack.c.l.s4.s8 v7;
	v2 =	vunpack.c.0.s8.s32 v2;
	v3 =	vunpack.c.0.s8.s32 v3  }
0x8: {  	s3 =	simm.s32 $0x0;
	s7 =	sshll.u32 s6, $0x5;
	s9 =	sand.u32 $0x40, s29;
	v4 =	vunpack.c.0.s8.s32 v4;
	v5 =	vunpack.c.0.s8.s32 v5;
	v1 =	vunpack.c.0.s8.s32 v1  }
0x9: {  	s8 =	sand.u32 $0x3800, s8;
	[smem:$0x7FF] =	sst s3;
	s6 =	ssub.s32 $0x2, s6;
	v6 =	vunpack.c.0.s8.s32 v6;
	v7 =	vunpack.c.0.s8.s32 v7;
	v2 =	vcombine.low v3, v2  }
0xa: {  	s7 =	sor.u32 s7, s9;
	_ =	strace $0x80000047;
	s30 =	sshrl.u32 s6, $0x1;
	v3 =	vunpack.c.0.s8.s32 v0;
	v4 =	vcombine.low v5, v4;
	v0 =	vlaneseq.u32  }
0xb: {  	s9 =	simm.s32 $0x400;
	s7 =	sor.u32 s8, s7;
	s31 =	ssub.s32 s6, s30;
	v1 =	vand.u32 $0xF, v1;
	v5 =	vcombine.low v7, v6;
	v6 =	vshrl.u32 v0, $0x1  }
0xc: {  	s8 =	sadd.s32 s7, s5;
	s4 =	sadd.s32 s4, s7;
	s5 =	sadd.s32 $0x400, s0;
	v1 =	vcombine.low v1, v3;
	v2 =	vand.u32 $0xF, v2;
	v3 =	vand.u32 $0xF, v4  }
0xd: {  	s7 =	smax.u32 s31, $0x1;
	s6 =	sadd.s32 $0x600, s8;
	s8 =	simm.s32 $0x100;
	v4 =	vand.u32 $0xF, v5;
	v5 =	vand.u32 $0x1, v0;
	v6 =	vmul.u32 $0x8, v6  }
.LBB2_1:
0xe: {  	[tilespmem:s3], [sflag:$0x2] =	stream.strided.gather [hbm4b:s4+s8], $0x1000, s9, s8, $0x38;
	[tilespmem:$0x2080] =	vst v63  }
0xf: {  	p0 =	por $0x0, $0x0;
	s15 =	simm.s32 $0x30;
	s17 =	sand.u32 $0xF00, s3  }
0x10: {  	s18 =	simm.s32 $0x20;
	s16 =	sand.u32 $0x7, s3;
	s19 =	simm.s32 $0x1  }
0x11: {  	s20 =	sand.u32 $0x3, s3;
	s21 =	simm.s32 $0x0;
	s22 =	simm.s32 $0x10  }
0x12: {  	_ =	swait.ge [sflag:s10], $0x1000;
	s19 =	simm.s32 @!p0 $0x0;
	s23 =	sand.u32 $0x40, s21  }
0x13: {  	s16 =	sshll.u32 s16, $0x4;
	[sflag:s10] =	ssyncset.done $0x0;
	s19 =	sshll.u32 s19, $0x6  }
0x14: {  	s23 =	sor.u32 s23, s17;
	[sflag:s10] =	ssyncadd.s32 $0xFFFFF000;
	s19 =	sadd.s32 $0x0, s19  }
0x15: {  	s31 =	sand.u32 $0x50, s22;
	s24 =	sadd.s32 $0x0, s16;
	v9 =	vld [tilespmem:s23+$0x0];
	s30 =	sor.u32 $0x80, s19  }
0x16: {  	s20 =	sshll.u32 s20, $0x5;
	s25 =	sadd.s32 $0x10, s24;
	s23 =	sor.u32 s31, s17;
	v13 =	vld [tilespmem:s30+$0x0]  }
0x17: {  	s26 =	sand.u32 $0x60, s18;
	s20 =	sadd.s32 $0x0, s20;
	s19 =	sor.u32 $0x80, s25;
	v15 =	vld [tilespmem:s23+$0x0]  }
0x18: {  	s29 =	sand.u32 $0x70, s15;
	v7 =	vor.u32 s15, v0;
	s15 =	simm.s32 $0x70;
	s28 =	sadd.s32 $0x20, s20;
	v16 =	vld [tilespmem:s19+$0x0]  }
0x19: {  	v8 =	vor.u32 s18, v0;
	s18 =	simm.s32 $0x60;
	p0 =	por !p0, !p0;
	s25 =	sor.u32 $0x80, s28  }
0x1a: {  	v14 =	vimm.f32 $-Inf;
	v11 =	vor.u32 s22, v0;
	v18 =	vor.u32 s21, v0;
	s22 =	simm.s32 $0x50;
	s21 =	simm.s32 $0x40;
	s23 =	sor.u32 s26, s17;
	v12 =	vld [tilespmem:s25+$0x0]  }
0x1b: {  	v17 =	vimm.s32 $0x0;
	s16 =	simm.s32 $0x80;
	s31 =	sor.u32 s29, s17;
	s30 =	sadd.s32 $0x30, s24;
	v10 =	vld [tilespmem:s23+$0x0];
	vm2 =	vgt.f32 v9, v14;
	vm3 =	vgt.f32 v13, v14  }
0x1c: {  	s20 =	simm.s32 $0x2;
	s19 =	simm.s32 $0x4;
	s28 =	sor.u32 $0x80, s30;
	v19 =	vsel vm2, v9, v14;
	v9 =	vld [tilespmem:s31+$0x0];
	v20 =	vsel vm3, v13, v14;
	v21 =	vsel vm3, v18, v17  }
0x1d: {  	s17 =	sand.u32 $0xF00, s16;
	s24 =	sand.u32 $0x3, s20;
	s26 =	simm.s32 $0x1;
	v14 =	vsel vm2, v18, v17;
	vm2 =	vgt.f32 v15, v19;
	v13 =	vld [tilespmem:s28+$0x0];
	vm3 =	vgt.f32 v16, v20  }
0x1e: {  	s25 =	sand.u32 $0x7, s19;
	s26 =	simm.s32 @!p0 $0x0;
	s23 =	simm.s32 $0x100;
	v17 =	vsel vm2, v15, v19;
	v15 =	vsel vm3, v16, v20;
	v16 =	vsel vm3, v11, v21  }
.LBB2_2:
0x1f: {  	p1 =	sne.s32 s23, $0xF80  }
0x20: {  	s26 =	sshll.u32 s26, $0x6;
	s28 =	sand.u32 $0x40, s21;
	v11 =	vsel vm2, v11, v14;
	vm2 =	vgt.f32 v10, v17;
	vm3 =	vgt.f32 v12, v15;
	s25 =	sshll.u32 s25, $0x4  }
0x21: {  	s24 =	sshll.u32 s24, $0x5;
	s28 =	sor.u32 s28, s17;
	s26 =	sadd.s32 s26, s16;
	v10 =	vsel vm2, v10, v17;
	v12 =	vsel vm3, v12, v15;
	v14 =	vsel vm3, v8, v16  }
0x22: {  	s25 =	sadd.s32 s16, s25;
	v8 =	vsel vm2, v8, v11;
	v15 =	vld [tilespmem:s28+$0x0];
	s26 =	sor.u32 $0x80, s26;
	s28 =	sand.u32 $0x50, s22;
	vm2 =	vgt.f32 v9, v10;
	vm3 =	vgt.f32 v13, v12  }
0x23: {  	s19 =	sadd.s32 $0x4, s19;
	v16 =	vld [tilespmem:s26+$0x0];
	s26 =	sor.u32 s28, s17;
	s28 =	sadd.s32 $0x10, s25;
	v17 =	vsel vm2, v9, v10;
	v13 =	vsel vm3, v13, v12;
	v14 =	vsel vm3, v7, v14  }
0x24: {  	s16 =	sadd.s32 s16, s24;
	v19 =	vsel vm2, v7, v8;
	v18 =	vld [tilespmem:s26+$0x0];
	s24 =	sor.u32 $0x80, s28;
	s26 =	sand.u32 $0x60, s18  }
0x25: {  	v20 =	vld [tilespmem:s24+$0x0];
	s24 =	sor.u32 s26, s17;
	s26 =	sadd.s32 $0x20, s16;
	s16 =	smov.u32 s23  }
0x26: {  	s20 =	sadd.s32 $0x2, s20;
	v10 =	vld [tilespmem:s24+$0x0];
	s24 =	sor.u32 $0x80, s26;
	s26 =	sand.u32 $0x70, s15  }
.Ltmp0:
0x27: {  	v11 =	vor.u32 s22, v0;
	v8 =	vor.u32 s18, v0;
	v7 =	vor.u32 s15, v0;
	s18 =	sadd.s32 $0x30, s25;
	v12 =	vld [tilespmem:s24+$0x0];
	s17 =	sor.u32 s26, s17;
	(pc) =	sbr.rel @p1 .LBB2_2-.Ltmp0, $4  }
0x28: {  	v21 =	vor.u32 s21, v0;
	p0 =	por !p0, !p0;
	s21 =	sor.u32 $0x80, s18;
	s15 =	sadd.s32 $0x40, s15;
	vm2 =	vgt.f32 v15, v17;
	vm3 =	vgt.f32 v16, v13;
	v9 =	vld [tilespmem:s17+$0x0]  }
0x29: {  	s25 =	sand.u32 $0x7, s19;
	s18 =	sadd.s32 $0xFFFFFFF0, s15;
	s17 =	sand.u32 $0xF00, s23;
	v15 =	vsel vm2, v15, v17;
	v16 =	vsel vm3, v16, v13;
	v22 =	vsel vm3, v21, v14;
	v13 =	vld [tilespmem:s21+$0x0]  }
0x2a: {  	s24 =	sand.u32 $0x3, s20;
	s22 =	sadd.s32 $0xFFFFFFE0, s15;
	s26 =	simm.s32 $0x1;
	v14 =	vsel vm2, v21, v19;
	vm2 =	vgt.f32 v18, v15;
	vm3 =	vgt.f32 v20, v16  }
0x2b: {  	s26 =	simm.s32 @!p0 $0x0;
	s23 =	sadd.s32 $0x80, s23;
	s21 =	sadd.s32 $0xFFFFFFD0, s15;
	v17 =	vsel vm2, v18, v15;
	v15 =	vsel vm3, v20, v16;
	v16 =	vsel vm3, v11, v22  }
0x2c: {  	s19 =	sshll.u32 s26, $0x6;
	s20 =	sand.u32 $0x40, s21  }
0x2d: {  	s23 =	sshll.u32 s25, $0x4;
	s20 =	sor.u32 s20, s17;
	s19 =	sadd.s32 s19, s16  }
0x2e: {  	vm3 =	vgt.f32 v10, v17;
	s28 =	sand.u32 $0x50, s22;
	s23 =	sadd.s32 s16, s23;
	v18 =	vld [tilespmem:s20+$0x0];
	s19 =	sor.u32 $0x80, s19  }
0x2f: {  	v11 =	vsel vm2, v11, v14;
	vm2 =	vgt.f32 v12, v15;
	s24 =	sshll.u32 s24, $0x5;
	v53 =	vor.u32 s22, v0;
	s29 =	sor.u32 s28, s17;
	s30 =	sadd.s32 $0x10, s23;
	v47 =	vld [tilespmem:s19+$0x0]  }
0x30: {  	s25 =	sand.u32 $0x60, s18;
	v10 =	vsel vm3, v10, v17;
	v12 =	vsel vm2, v12, v15;
	v48 =	vsel vm2, v8, v16;
	s31 =	sadd.s32 s16, s24;
	v49 =	vld [tilespmem:s29+$0x0];
	s24 =	sor.u32 $0x80, s30  }
0x31: {  	v8 =	vsel vm3, v8, v11;
	s26 =	sor.u32 s25, s17;
	vm2 =	vgt.f32 v9, v10;
	vm3 =	vgt.f32 v13, v12;
	s16 =	sadd.s32 $0x20, s31;
	v50 =	vld [tilespmem:s24+$0x0]  }
0x32: {  	v54 =	vor.u32 s18, v0;
	s28 =	sand.u32 $0x70, s15;
	v52 =	vsel vm3, v7, v48;
	v7 =	vsel vm2, v7, v8;
	v8 =	vld [tilespmem:s26+$0x0];
	s16 =	sor.u32 $0x80, s16  }
0x33: {  	v19 =	vor.u32 s15, v0;
	s29 =	sor.u32 s28, s17;
	v9 =	vsel vm2, v9, v10;
	v51 =	vsel vm3, v13, v12;
	s30 =	sadd.s32 $0x30, s23;
	v55 =	vld [tilespmem:s16+$0x0]  }
0x34: {  	v20 =	vor.u32 s21, v0;
	v21 =	vld [tilespmem:s29+$0x0];
	s31 =	sor.u32 $0x80, s30;
	vm2 =	vgt.f32 v18, v9;
	vm3 =	vgt.f32 v47, v51  }
0x35: {  	v56 =	vld [tilespmem:s31+$0x0];
	v9 =	vsel vm2, v18, v9;
	v7 =	vsel vm2, v20, v7;
	v11 =	vsel vm3, v47, v51  }
0x36: {  	v12 =	vsel vm3, v20, v52;
	vm2 =	vgt.f32 v49, v9;
	vm3 =	vgt.f32 v50, v11  }
0x37: {  	v9 =	vsel vm2, v49, v9;
	v7 =	vsel vm2, v53, v7;
	v10 =	vsel vm3, v50, v11  }
0x38: {  	v57 =	vsel vm3, v53, v12;
	vm2 =	vgt.f32 v8, v9;
	vm3 =	vgt.f32 v55, v10  }
0x39: {  	v8 =	vsel vm2, v8, v9;
	v7 =	vsel vm2, v54, v7;
	v58 =	vsel vm3, v55, v10  }
0x3a: {  	v59 =	vsel vm3, v54, v57;
	vm2 =	vgt.f32 v21, v8;
	vm3 =	vgt.f32 v56, v58  }
0x3b: {  	v8 =	vsel vm2, v21, v8;
	v7 =	vsel vm2, v19, v7;
	v9 =	vsel vm3, v56, v58  }
0x3c: {  	v10 =	vsel vm3, v19, v59;
	v60 =	vperm.xlane v8, v1;
	v61 =	vperm.xlane v7, v1  }
0x3d: {  	v62 =	vperm.xlane v9, v1;
	v63 =	vperm.xlane v10, v1  }
0x3e: {  	vm2 =	veq.f32 v60, v8;
	vm3 =	vlt.s32 v61, v7  }
0x3f: {  	vm2 =	vmand vm2, vm3;
	vm3 =	veq.f32 v62, v9;
	vm4 =	vlt.s32 v63, v10  }
0x40: {  	vm5 =	vgt.f32 v60, v8;
	vm14 =	vgt.f32 v62, v9;
	vm3 =	vmand vm3, vm4  }
0x41: {  	vm2 =	vmor vm5, vm2;
	vm3 =	vmor vm14, vm3  }
0x42: {  	v8 =	vsel vm2, v60, v8;
	v7 =	vsel vm2, v61, v7;
	v9 =	vsel vm3, v62, v9  }
0x43: {  	v10 =	vsel vm3, v63, v10;
	v11 =	vperm.xlane v8, v2;
	v12 =	vperm.xlane v7, v2  }
0x44: {  	v13 =	vperm.xlane v9, v2;
	v14 =	vperm.xlane v10, v2  }
0x45: {  	vm2 =	veq.f32 v11, v8;
	vm3 =	vlt.s32 v12, v7  }
0x46: {  	vm2 =	vmand vm2, vm3;
	vm3 =	veq.f32 v13, v9;
	vm15 =	vlt.s32 v14, v10  }
0x47: {  	vm8 =	vgt.f32 v11, v8;
	vm9 =	vgt.f32 v13, v9;
	vm3 =	vmand vm3, vm15  }
0x48: {  	vm2 =	vmor vm8, vm2;
	vm3 =	vmor vm9, vm3  }
0x49: {  	v8 =	vsel vm2, v11, v8;
	v7 =	vsel vm2, v12, v7;
	v9 =	vsel vm3, v13, v9  }
0x4a: {  	v10 =	vsel vm3, v14, v10;
	v11 =	vperm.xlane v8, v3;
	v12 =	vperm.xlane v7, v3  }
0x4b: {  	v13 =	vperm.xlane v9, v3;
	v14 =	vperm.xlane v10, v3  }
0x4c: {  	vm2 =	veq.f32 v11, v8;
	vm3 =	vlt.s32 v12, v7  }
0x4d: {  	vm2 =	vmand vm2, vm3;
	vm3 =	veq.f32 v13, v9;
	vm10 =	vlt.s32 v14, v10  }
0x4e: {  	vm11 =	vgt.f32 v11, v8;
	vm12 =	vgt.f32 v13, v9;
	vm3 =	vmand vm3, vm10  }
0x4f: {  	vm2 =	vmor vm11, vm2;
	vm3 =	vmor vm12, vm3  }
0x50: {  	v8 =	vsel vm2, v11, v8;
	v7 =	vsel vm2, v12, v7;
	v9 =	vsel vm3, v13, v9  }
0x51: {  	v10 =	vsel vm3, v14, v10;
	v11 =	vperm.xlane v8, v4;
	v12 =	vperm.xlane v7, v4  }
0x52: {  	v13 =	vperm.xlane v9, v4;
	v14 =	vperm.xlane v10, v4  }
0x53: {  	vm2 =	veq.f32 v11, v8;
	vm3 =	vlt.s32 v12, v7  }
0x54: {  	vm2 =	vmand vm2, vm3;
	vm3 =	veq.f32 v13, v9;
	vm13 =	vlt.s32 v14, v10  }
0x55: {  	vm14 =	vgt.f32 v11, v8;
	vm15 =	vgt.f32 v13, v9;
	vm3 =	vmand vm3, vm13  }
0x56: {  	vm2 =	vmor vm14, vm2;
	vm3 =	vmor vm15, vm3  }
0x57: {  	v7 =	vsel vm2, v12, v7;
	v8 =	vsel vm3, v14, v10  }
0x58: {  	v7 =	vsel vm0, v7, v8  }
0x59: {  	[tilespmem:$0x1000] =	vst v7  }
0x5a: {  	v7 =	vld.msk [tilespmem:$0x1000], $0x3;
	_ =	sdelay $0x4  }
0x5b: {  	v8 =	vshll.u32 v7, $0x4  }
0x5c: {  	v7 =	vand.u32 $0x7, v7;
	v8 =	vand.u32 $0xFFFFFF80, v8  }
0x5d: {  	v7 =	vor.u32 v7, v8  }
0x5e: {  	v7 =	vperm.xlane v7, v5;
	_ =	sdelay $0x1  }
0x5f: {  	v7 =	vadd.s32 v6, v7;
	_ =	sdelay $0x4  }
0x60: {  	[tilespmem:s12], [sflag:$0x1] =	stream.indirect_vreg.gather [hbm4b:s0+s3], $0x80, v7, vm1, $0xb8;
	[tilespmem:$0x2080] =	vst v63  }
0x61: {  	_ = 	snop  }
0x62: {  	[tilespmem:s13], [sflag:$0x1] =	stream.indirect_vreg.gather [hbm4b:s5+s3], $0x80, v7, vm1, $0xb8;
	[tilespmem:$0x2080] =	vst v63  }
0x63: {  	s14 =	sadd.s32 $0x1, s14;
	_ =	swait.ge [sflag:s11], $0x1000  }
0x64: {  	p0 =	sne.s32 s14, s7;
	[sflag:s11] =	ssyncset.done $0x0  }
.Ltmp1:
0x65: {  	[sflag:s11] =	ssyncadd.s32 $0xFFFFF000;
	(pc) =	sbr.rel @p0 .LBB2_1-.Ltmp1, $4  }
0x66: {  	[hbm4b:s6+s8] =	stream.strided.scatter [tilespmem:s12], [sflag:$0x2], $0x1000, s9, s8, $0x38;
	[tilespmem:$0x2080] =	vst v63  }
0x67: {  	_ =	swait.ge [sflag:s10], $0x1000  }
0x68: {  	[sflag:s10] =	ssyncset.done $0x0  }
0x69: {  	[sflag:s10] =	ssyncadd.s32 $0xFFFFF000  }
0x6a: {  	_ =	sfence.sel $0x180000  }
0x6b: {  	[bflag:$0x0] =	sbarrier.arrive $0xFFFF  }
0x6c: {  	p0 =	sne.s32 s1, $0x0;
	_ =	strace $0x90000047  }
0x6d: {  	s0 =	sadd.s32 @!p0 $0x100000, s2;
	[bflag:$0x2] =	sbarrier.arrive $0xFFFF  }
0x6e: {  	[sflag:s0] =	ssyncadd.tile.s32 @!p0 $0x1;
	_ =	shalt  }
.Lfunc_end2:
_tile_overlayer_lowered:
.L_overlay_start_2:
0x6f: {  	(tag) =	ssettag $0x2  }
0x70: {  	s0 =	rddreg [dreg:$0x0];
	s2 =	stileid.u32  }
0x71: {  	s1 =	rddreg [dreg:$0x1];
	p0 =	sne.s32 s2, $0x0  }
0x72: {  	s3 =	rddreg [dreg:$0x2];
	[bflag:$0x3] =	sbarrier.arrive $0xFFFF;
	s2 =	simm.s32 @!p0 $0x1C02  }
0x73: {  	[timem:s3], [sflag:s2] =	dma.local @!p0 [hbm:s0], s1  }
0x74: {  	s0 =	simm.s32 @!p0 $0x2  }
0x75: {  	_ =	swait.ge @!p0 [sflag:s0], s1  }
0x76: {  	s1 =	ssub.s32 @!p0 $0x0, s1;
	[sflag:s0] =	ssyncset.done @!p0 $0x0  }
0x77: {  	[sflag:s0] =	ssyncadd.s32 @!p0 s1  }
0x78: {  	[bflag:$0x3] =	sbarrier.arrive $0xFFFF  }
0x79: {  	_ =	shalt  }

</sc_bundles>
